<compile_context>
chip_gen: v7x
topology: tpu7x:2x2x1
jax: 0.10.2.dev20260603
libtpu: 0.0.44.dev20260713+nightly
codegen_flags: <defaults>
</compile_context>

<pallas_src>
import jax
import jax.numpy as jnp
from jax import lax
from jax.experimental import pallas as pl
from jax.experimental.pallas import tpu as pltpu
from jax.experimental.pallas import tpu_sc as plsc

B = 16
IN = 768
C = 8
P = 1024
NW = 32
L = 16
PPW = P // NW
TRW = (B * C) // NW


def _sc_body(x_hbm, w_hbm, idx_hbm, tbl_hbm, conn_hbm,
             xb_v, ws_v, idx_v, trow_v, conn_v, sem_x, sem_w, sem_i, sem):
    nc = 2
    wid = lax.axis_index("s") * nc + lax.axis_index("c")
    b = wid // 2
    cand0 = (wid % 2) * TRW
    p0 = wid * PPW

    cx = pltpu.make_async_copy(x_hbm.at[b], xb_v, sem_x)
    cw = pltpu.make_async_copy(w_hbm, ws_v, sem_w)
    ci = pltpu.make_async_copy(idx_hbm.at[pl.ds(cand0, TRW)], idx_v, sem_i)
    cx.start(); cw.start(); ci.start()
    cw.wait()

    for k in range(PPW // L):
        sl = pl.ds(p0 + L * k, L)
        best = ws_v[0, sl]
        bc = jnp.zeros((L,), jnp.int32)
        for cand in range(1, C):
            wv = ws_v[cand, sl]
            m = wv > best
            best = jnp.where(m, wv, best)
            bc = jnp.where(m, cand, bc)
        conn_v[pl.ds(L * k, L)] = bc
    cc = pltpu.make_async_copy(conn_v, conn_hbm.at[pl.ds(p0, PPW)], sem)
    cc.start()
    cx.wait()
    ci.wait()

    row_copies = []
    for j in range(TRW):
        def q_body(k, _, j=j):
            for u in range(4):
                sl = pl.ds(4 * L * k + L * u, L)
                iv = idx_v[j, sl]
                trow_v[j, sl] = plsc.load_gather(xb_v, [iv])
            return 0

        lax.fori_loop(0, P // (4 * L), q_body, 0)
        cr = pltpu.make_async_copy(trow_v.at[j], tbl_hbm.at[wid * TRW + j], sem)
        cr.start()
        row_copies.append(cr)
    cc.wait()
    for cr in row_copies:
        cr.wait()


def _tc_body(tbl_ref, conn_ref, out_ref):
    conn = conn_ref[...]
    tbl = tbl_ref[...].reshape(C, P)
    conn2d = jnp.broadcast_to(conn, (P, P))
    expanded = jnp.take_along_axis(tbl, conn2d, axis=0)
    out_ref[...] = expanded.reshape(1, 2, P // 2, 2, P // 2)


@jax.jit
def kernel(x, weights, indices):
    w2 = weights.reshape(C, P)
    idx2 = indices.reshape(C, P).astype(jnp.int32)

    mesh = plsc.VectorSubcoreMesh(core_axis_name="c", subcore_axis_name="s")
    tbl, conn = pl.kernel(
        _sc_body,
        out_type=[
            jax.ShapeDtypeStruct((B * C, P), jnp.float32),
            jax.ShapeDtypeStruct((P,), jnp.int32),
        ],
        mesh=mesh,
        scratch_types=[
            pltpu.VMEM((IN,), jnp.float32),
            pltpu.VMEM((C, P), jnp.float32),
            pltpu.VMEM((TRW, P), jnp.int32),
            pltpu.VMEM((TRW, P), jnp.float32),
            pltpu.VMEM((PPW,), jnp.int32),
            pltpu.SemaphoreType.DMA,
            pltpu.SemaphoreType.DMA,
            pltpu.SemaphoreType.DMA,
            pltpu.SemaphoreType.DMA,
        ],
        compiler_params=pltpu.CompilerParams(
            needs_layout_passes=False, use_tc_tiling_on_sc=True
        ),
        name="learnable_connections_sc",
    )(x, w2, idx2)

    out5 = pl.pallas_call(
        _tc_body,
        out_shape=jax.ShapeDtypeStruct((B, 2, P // 2, 2, P // 2), jnp.float32),
        grid=(B,),
        in_specs=[
            pl.BlockSpec((1, C, P), lambda b: (b, 0, 0)),
            pl.BlockSpec((P, 1), lambda b: (0, 0)),
        ],
        out_specs=pl.BlockSpec((1, 2, P // 2, 2, P // 2), lambda b: (b, 0, 0, 0, 0)),
        name="learnable_connections_expand_tc",
    )(tbl.reshape(B, C, P), conn.reshape(P, 1))

    return out5

# --- scband reference (transcript-rebuilt; emitter-appended) ---
"""Pipeline reference for scband-learnable-connections-83021717832662 (READ-ONLY COPY).

The authoritative reference and input builder live on the scoring server;
editing this copy changes nothing except your own understanding.
"""

import jax, jax.numpy as jnp
import numpy as np

IN_DIM = 768
OUT_DIM = 512
LUT_RANK = 2
NUM_CANDIDATES = 8
BATCH = 16


def setup_inputs(seed: int = 0) -> dict:
    key = jax.random.key(seed)
    k1, k2, k3 = jax.random.split(key, 3)
    x = jax.random.normal(k1, (BATCH, IN_DIM), dtype=jnp.float32)
    # weights = torch.rand(num_candidates, lut_rank, out_dim)
    weights = jax.random.uniform(k2, (NUM_CANDIDATES, LUT_RANK, OUT_DIM), dtype=jnp.float32)
    # indices = randperm(lut_rank * out_dim * num_candidates) % in_dim, reshaped (C, R, O)
    perm = jax.random.permutation(k3, LUT_RANK * OUT_DIM * NUM_CANDIDATES)
    indices = (perm % IN_DIM).reshape(NUM_CANDIDATES, LUT_RANK, OUT_DIM).astype(jnp.int32)
    return {"x": x, "weights": weights, "indices": indices}


def reference(x, weights, indices):
    # LearnableConnectionFunction.forward with gumbel=False: g = zeros_like(weights)
    g = jnp.zeros_like(weights)
    # connections = (weights + g).argmax(dim=0) -> shape (lut_rank, out_dim)
    connections = jnp.argmax(weights + g, axis=0)
    # indices[connections]: advanced indexing on dim 0 only -> shape (R, O, R, O)
    selected = jnp.take(indices, connections, axis=0)
    # output = x[:, indices[connections]] -> shape (B, R, O, R, O)
    output = x[:, selected]
    return output

if __name__ == "__main__":
    import jax
    _d = setup_inputs()
    print(jax.jit(kernel)(*tuple(_d.values())))

</pallas_src>

<mosaic_0001>
#map = affine_map<(d0, d1) -> (0, 0)>
#map1 = affine_map<(d0, d1) -> (0)>
module attributes {stable_mosaic.version = 14 : i64} {
  func.func @learnable_connections_sc(%arg0: i32, %arg1: i32, %arg2: memref<16x768xf32, #tpu.memory_space<hbm>>, %arg3: memref<8x1024xf32, #tpu.memory_space<hbm>>, %arg4: memref<8x1024xi32, #tpu.memory_space<hbm>>, %arg5: memref<128x1024xf32, #tpu.memory_space<hbm>>, %arg6: memref<1024xi32, #tpu.memory_space<hbm>>, %arg7: memref<768xf32, #tpu.memory_space<vmem>>, %arg8: memref<8x1024xf32, #tpu.memory_space<vmem>>, %arg9: memref<4x1024xi32, #tpu.memory_space<vmem>>, %arg10: memref<4x1024xf32, #tpu.memory_space<vmem>>, %arg11: memref<32xi32, #tpu.memory_space<vmem>>, %arg12: memref<!tpu.dma_semaphore, #tpu.memory_space<semaphore_mem>>, %arg13: memref<!tpu.dma_semaphore, #tpu.memory_space<semaphore_mem>>, %arg14: memref<!tpu.dma_semaphore, #tpu.memory_space<semaphore_mem>>, %arg15: memref<!tpu.dma_semaphore, #tpu.memory_space<semaphore_mem>>) attributes {dimension_semantics = [#tpu.dimension_semantics<core_parallel>, #tpu.dimension_semantics<subcore_parallel>], iteration_bounds = array<i64: 2, 16>, scalar_prefetch = 0 : i64, scratch_operands = 9 : i64, tpu.core_type = #tpu.core_type<sc_vector_subcore>, window_params = [{transform_indices = #map}, {transform_indices = #map}, {transform_indices = #map}, {transform_indices = #map}, {transform_indices = #map1}]} {
    %mul3A = arith.constant 2 : i32
    %mul3A_0 = arith.muli %arg1, %mul3A : i32
    %add3A = arith.addi %mul3A_0, %arg0 : i32
    %jit3A = arith.constant 2 : i32
    %div3A = arith.divsi %add3A, %jit3A : i32
    %sign3A = arith.constant 0 : i32
    %sign3A_1 = arith.cmpi sgt, %add3A, %sign3A : i32
    %sign3A_2 = arith.extui %sign3A_1 : i1 to i32
    %sign3A_3 = arith.constant 0 : i32
    %sign3A_4 = arith.cmpi slt, %add3A, %sign3A_3 : i32
    %sign3A_5 = arith.extui %sign3A_4 : i1 to i32
    %sign3A_6 = arith.subi %sign3A_2, %sign3A_5 : i32
    %sign3A_7 = arith.constant 0 : i32
    %sign3A_8 = arith.cmpi sgt, %jit3A, %sign3A_7 : i32
    %sign3A_9 = arith.extui %sign3A_8 : i1 to i32
    %sign3A_10 = arith.constant 0 : i32
    %sign3A_11 = arith.cmpi slt, %jit3A, %sign3A_10 : i32
    %sign3A_12 = arith.extui %sign3A_11 : i1 to i32
    %sign3A_13 = arith.subi %sign3A_9, %sign3A_12 : i32
    %ne3A = arith.cmpi ne, %sign3A_6, %sign3A_13 : i32
    %rem3A = arith.remsi %add3A, %jit3A : i32
    %ne3A_14 = arith.constant 0 : i32
    %ne3A_15 = arith.cmpi ne, %rem3A, %ne3A_14 : i32
    %and3A = arith.andi %ne3A, %ne3A_15 : i1
    %sub3A = arith.constant 1 : i32
    %sub3A_16 = arith.subi %div3A, %sub3A : i32
    %select_n3A = arith.select %and3A, %sub3A_16, %div3A : i32
    %jit3A_17 = arith.constant 2 : i32
    %eq3A = arith.constant 0 : i32
    %eq3A_18 = arith.cmpi eq, %jit3A_17, %eq3A : i32
    %jit3A_19 = arith.constant 1 : i32
    %select_n3A_20 = arith.select %eq3A_18, %jit3A_19, %jit3A_17 : i32
    %rem3A_21 = arith.remsi %add3A, %select_n3A_20 : i32
    %ne3A_22 = arith.constant 0 : i32
    %ne3A_23 = arith.cmpi ne, %rem3A_21, %ne3A_22 : i32
    %lt3A = arith.constant 0 : i32
    %lt3A_24 = arith.cmpi slt, %rem3A_21, %lt3A : i32
    %lt3A_25 = arith.constant 0 : i32
    %lt3A_26 = arith.cmpi slt, %select_n3A_20, %lt3A_25 : i32
    %ne3A_27 = arith.xori %lt3A_24, %lt3A_26 : i1
    %and3A_28 = arith.andi %ne3A_27, %ne3A_23 : i1
    %add3A_29 = arith.addi %rem3A_21, %select_n3A_20 : i32
    %select_n3A_30 = arith.select %and3A_28, %add3A_29, %rem3A_21 : i32
    %mul3A_31 = arith.constant 4 : i32
    %mul3A_32 = arith.muli %select_n3A_30, %mul3A_31 : i32
    %mul3A_33 = arith.constant 32 : i32
    %mul3A_34 = arith.muli %add3A, %mul3A_33 : i32
    %dma_start3A = arith.constant 0 : i32
    %dma_start3A_35 = tpu.memref_slice %arg2[%select_n3A, %dma_start3A] : memref<16x768xf32, #tpu.memory_space<hbm>> -> memref<1x768xf32, #tpu.memory_space<hbm>>
    %dma_start3A_36 = tpu.memref_squeeze %dma_start3A_35 : memref<1x768xf32, #tpu.memory_space<hbm>> -> memref<768xf32, #tpu.memory_space<hbm>>
    %dma_start3A_37 = arith.constant 0 : i32
    %dma_start3A_38 = tpu.memref_slice %arg2[%select_n3A, %dma_start3A_37] : memref<16x768xf32, #tpu.memory_space<hbm>> -> memref<1x768xf32, #tpu.memory_space<hbm>>
    %dma_start3A_39 = tpu.memref_squeeze %dma_start3A_38 : memref<1x768xf32, #tpu.memory_space<hbm>> -> memref<768xf32, #tpu.memory_space<hbm>>
    tpu.enqueue_dma source(%dma_start3A_39 : memref<768xf32, #tpu.memory_space<hbm>>) target(%arg7 : memref<768xf32, #tpu.memory_space<vmem>>) target_semaphore(%arg12 : memref<!tpu.dma_semaphore, #tpu.memory_space<semaphore_mem>>)
    tpu.enqueue_dma source(%arg3 : memref<8x1024xf32, #tpu.memory_space<hbm>>) target(%arg8 : memref<8x1024xf32, #tpu.memory_space<vmem>>) target_semaphore(%arg13 : memref<!tpu.dma_semaphore, #tpu.memory_space<semaphore_mem>>)
    %dma_start3A_40 = arith.constant 0 : i32
    %dma_start3A_41 = tpu.memref_slice %arg4[%mul3A_32, %dma_start3A_40] : memref<8x1024xi32, #tpu.memory_space<hbm>> -> memref<4x1024xi32, #tpu.memory_space<hbm>>
    %dma_start3A_42 = arith.constant 0 : i32
    %dma_start3A_43 = tpu.memref_slice %arg4[%mul3A_32, %dma_start3A_42] : memref<8x1024xi32, #tpu.memory_space<hbm>> -> memref<4x1024xi32, #tpu.memory_space<hbm>>
    tpu.enqueue_dma source(%dma_start3A_43 : memref<4x1024xi32, #tpu.memory_space<hbm>>) target(%arg9 : memref<4x1024xi32, #tpu.memory_space<vmem>>) target_semaphore(%arg14 : memref<!tpu.dma_semaphore, #tpu.memory_space<semaphore_mem>>)
    tpu.wait_dma2 semaphore(%arg13 : memref<!tpu.dma_semaphore, #tpu.memory_space<semaphore_mem>>) src(%arg3 : memref<8x1024xf32, #tpu.memory_space<hbm>>) dst(%arg8 : memref<8x1024xf32, #tpu.memory_space<vmem>>)
    %add3A_44 = arith.constant 0 : i32
    %add3A_45 = arith.addi %mul3A_34, %add3A_44 : i32
    %get3A = arith.constant 0 : i32
    %get3A_46 = arith.index_cast %get3A : i32 to index
    %get3A_47 = arith.index_cast %add3A_45 : i32 to index
    %get3A_48 = tpu.vector_load %arg8[%get3A_46, %get3A_47] {strides = array<i32>} : memref<8x1024xf32, #tpu.memory_space<vmem>>, vector<16xf32>,
    %broadcast_in_dim3A = arith.constant 0 : i32
    %broadcast_in_dim3A_49 = vector.broadcast %broadcast_in_dim3A : i32 to vector<16xi32>
    %get3A_50 = arith.constant 1 : i32
    %get3A_51 = arith.index_cast %get3A_50 : i32 to index
    %get3A_52 = arith.index_cast %add3A_45 : i32 to index
    %get3A_53 = tpu.vector_load %arg8[%get3A_51, %get3A_52] {strides = array<i32>} : memref<8x1024xf32, #tpu.memory_space<vmem>>, vector<16xf32>,
    %gt3A = arith.cmpf ogt, %get3A_53, %get3A_48 : vector<16xf32>
    %select_n3A_54 = arith.select %gt3A, %get3A_53, %get3A_48 : vector<16xi1>, vector<16xf32>
    %jit3A_55 = arith.constant 1 : i32
    %broadcast_in_dim3A_56 = vector.broadcast %jit3A_55 : i32 to vector<16xi32>
    %select_n3A_57 = arith.select %gt3A, %broadcast_in_dim3A_56, %broadcast_in_dim3A_49 : vector<16xi1>, vector<16xi32>
    %get3A_58 = arith.constant 2 : i32
    %get3A_59 = arith.index_cast %get3A_58 : i32 to index
    %get3A_60 = arith.index_cast %add3A_45 : i32 to index
    %get3A_61 = tpu.vector_load %arg8[%get3A_59, %get3A_60] {strides = array<i32>} : memref<8x1024xf32, #tpu.memory_space<vmem>>, vector<16xf32>,
    %gt3A_62 = arith.cmpf ogt, %get3A_61, %select_n3A_54 : vector<16xf32>
    %select_n3A_63 = arith.select %gt3A_62, %get3A_61, %select_n3A_54 : vector<16xi1>, vector<16xf32>
    %jit3A_64 = arith.constant 2 : i32
    %broadcast_in_dim3A_65 = vector.broadcast %jit3A_64 : i32 to vector<16xi32>
    %select_n3A_66 = arith.select %gt3A_62, %broadcast_in_dim3A_65, %select_n3A_57 : vector<16xi1>, vector<16xi32>
    %get3A_67 = arith.constant 3 : i32
    %get3A_68 = arith.index_cast %get3A_67 : i32 to index
    %get3A_69 = arith.index_cast %add3A_45 : i32 to index
    %get3A_70 = tpu.vector_load %arg8[%get3A_68, %get3A_69] {strides = array<i32>} : memref<8x1024xf32, #tpu.memory_space<vmem>>, vector<16xf32>,
    %gt3A_71 = arith.cmpf ogt, %get3A_70, %select_n3A_63 : vector<16xf32>
    %select_n3A_72 = arith.select %gt3A_71, %get3A_70, %select_n3A_63 : vector<16xi1>, vector<16xf32>
    %jit3A_73 = arith.constant 3 : i32
    %broadcast_in_dim3A_74 = vector.broadcast %jit3A_73 : i32 to vector<16xi32>
    %select_n3A_75 = arith.select %gt3A_71, %broadcast_in_dim3A_74, %select_n3A_66 : vector<16xi1>, vector<16xi32>
    %get3A_76 = arith.constant 4 : i32
    %get3A_77 = arith.index_cast %get3A_76 : i32 to index
    %get3A_78 = arith.index_cast %add3A_45 : i32 to index
    %get3A_79 = tpu.vector_load %arg8[%get3A_77, %get3A_78] {strides = array<i32>} : memref<8x1024xf32, #tpu.memory_space<vmem>>, vector<16xf32>,
    %gt3A_80 = arith.cmpf ogt, %get3A_79, %select_n3A_72 : vector<16xf32>
    %select_n3A_81 = arith.select %gt3A_80, %get3A_79, %select_n3A_72 : vector<16xi1>, vector<16xf32>
    %jit3A_82 = arith.constant 4 : i32
    %broadcast_in_dim3A_83 = vector.broadcast %jit3A_82 : i32 to vector<16xi32>
    %select_n3A_84 = arith.select %gt3A_80, %broadcast_in_dim3A_83, %select_n3A_75 : vector<16xi1>, vector<16xi32>
    %get3A_85 = arith.constant 5 : i32
    %get3A_86 = arith.index_cast %get3A_85 : i32 to index
    %get3A_87 = arith.index_cast %add3A_45 : i32 to index
    %get3A_88 = tpu.vector_load %arg8[%get3A_86, %get3A_87] {strides = array<i32>} : memref<8x1024xf32, #tpu.memory_space<vmem>>, vector<16xf32>,
    %gt3A_89 = arith.cmpf ogt, %get3A_88, %select_n3A_81 : vector<16xf32>
    %select_n3A_90 = arith.select %gt3A_89, %get3A_88, %select_n3A_81 : vector<16xi1>, vector<16xf32>
    %jit3A_91 = arith.constant 5 : i32
    %broadcast_in_dim3A_92 = vector.broadcast %jit3A_91 : i32 to vector<16xi32>
    %select_n3A_93 = arith.select %gt3A_89, %broadcast_in_dim3A_92, %select_n3A_84 : vector<16xi1>, vector<16xi32>
    %get3A_94 = arith.constant 6 : i32
    %get3A_95 = arith.index_cast %get3A_94 : i32 to index
    %get3A_96 = arith.index_cast %add3A_45 : i32 to index
    %get3A_97 = tpu.vector_load %arg8[%get3A_95, %get3A_96] {strides = array<i32>} : memref<8x1024xf32, #tpu.memory_space<vmem>>, vector<16xf32>,
    %gt3A_98 = arith.cmpf ogt, %get3A_97, %select_n3A_90 : vector<16xf32>
    %select_n3A_99 = arith.select %gt3A_98, %get3A_97, %select_n3A_90 : vector<16xi1>, vector<16xf32>
    %jit3A_100 = arith.constant 6 : i32
    %broadcast_in_dim3A_101 = vector.broadcast %jit3A_100 : i32 to vector<16xi32>
    %select_n3A_102 = arith.select %gt3A_98, %broadcast_in_dim3A_101, %select_n3A_93 : vector<16xi1>, vector<16xi32>
    %get3A_103 = arith.constant 7 : i32
    %get3A_104 = arith.index_cast %get3A_103 : i32 to index
    %get3A_105 = arith.index_cast %add3A_45 : i32 to index
    %get3A_106 = tpu.vector_load %arg8[%get3A_104, %get3A_105] {strides = array<i32>} : memref<8x1024xf32, #tpu.memory_space<vmem>>, vector<16xf32>,
    %gt3A_107 = arith.cmpf ogt, %get3A_106, %select_n3A_99 : vector<16xf32>
    %select_n3A_108 = arith.select %gt3A_107, %get3A_106, %select_n3A_99 : vector<16xi1>, vector<16xf32>
    %jit3A_109 = arith.constant 7 : i32
    %broadcast_in_dim3A_110 = vector.broadcast %jit3A_109 : i32 to vector<16xi32>
    %select_n3A_111 = arith.select %gt3A_107, %broadcast_in_dim3A_110, %select_n3A_102 : vector<16xi1>, vector<16xi32>
    %swap3A = arith.constant 0 : index
    %swap3A_112 = tpu.vector_load %arg11[%swap3A] {strides = array<i32>} : memref<32xi32, #tpu.memory_space<vmem>>, vector<16xi32>,
    tpu.vector_store %arg11[%swap3A], %select_n3A_111 {strides = array<i32>} : memref<32xi32, #tpu.memory_space<vmem>>, vector<16xi32>,
    %add3A_113 = arith.constant 16 : i32
    %add3A_114 = arith.addi %mul3A_34, %add3A_113 : i32
    %get3A_115 = arith.constant 0 : i32
    %get3A_116 = arith.index_cast %get3A_115 : i32 to index
    %get3A_117 = arith.index_cast %add3A_114 : i32 to index
    %get3A_118 = tpu.vector_load %arg8[%get3A_116, %get3A_117] {strides = array<i32>} : memref<8x1024xf32, #tpu.memory_space<vmem>>, vector<16xf32>,
    %broadcast_in_dim3A_119 = arith.constant 0 : i32
    %broadcast_in_dim3A_120 = vector.broadcast %broadcast_in_dim3A_119 : i32 to vector<16xi32>
    %get3A_121 = arith.constant 1 : i32
    %get3A_122 = arith.index_cast %get3A_121 : i32 to index
    %get3A_123 = arith.index_cast %add3A_114 : i32 to index
    %get3A_124 = tpu.vector_load %arg8[%get3A_122, %get3A_123] {strides = array<i32>} : memref<8x1024xf32, #tpu.memory_space<vmem>>, vector<16xf32>,
    %gt3A_125 = arith.cmpf ogt, %get3A_124, %get3A_118 : vector<16xf32>
    %select_n3A_126 = arith.select %gt3A_125, %get3A_124, %get3A_118 : vector<16xi1>, vector<16xf32>
    %jit3A_127 = arith.constant 1 : i32
    %broadcast_in_dim3A_128 = vector.broadcast %jit3A_127 : i32 to vector<16xi32>
    %select_n3A_129 = arith.select %gt3A_125, %broadcast_in_dim3A_128, %broadcast_in_dim3A_120 : vector<16xi1>, vector<16xi32>
    %get3A_130 = arith.constant 2 : i32
    %get3A_131 = arith.index_cast %get3A_130 : i32 to index
    %get3A_132 = arith.index_cast %add3A_114 : i32 to index
    %get3A_133 = tpu.vector_load %arg8[%get3A_131, %get3A_132] {strides = array<i32>} : memref<8x1024xf32, #tpu.memory_space<vmem>>, vector<16xf32>,
    %gt3A_134 = arith.cmpf ogt, %get3A_133, %select_n3A_126 : vector<16xf32>
    %select_n3A_135 = arith.select %gt3A_134, %get3A_133, %select_n3A_126 : vector<16xi1>, vector<16xf32>
    %jit3A_136 = arith.constant 2 : i32
    %broadcast_in_dim3A_137 = vector.broadcast %jit3A_136 : i32 to vector<16xi32>
    %select_n3A_138 = arith.select %gt3A_134, %broadcast_in_dim3A_137, %select_n3A_129 : vector<16xi1>, vector<16xi32>
    %get3A_139 = arith.constant 3 : i32
    %get3A_140 = arith.index_cast %get3A_139 : i32 to index
    %get3A_141 = arith.index_cast %add3A_114 : i32 to index
    %get3A_142 = tpu.vector_load %arg8[%get3A_140, %get3A_141] {strides = array<i32>} : memref<8x1024xf32, #tpu.memory_space<vmem>>, vector<16xf32>,
    %gt3A_143 = arith.cmpf ogt, %get3A_142, %select_n3A_135 : vector<16xf32>
    %select_n3A_144 = arith.select %gt3A_143, %get3A_142, %select_n3A_135 : vector<16xi1>, vector<16xf32>
    %jit3A_145 = arith.constant 3 : i32
    %broadcast_in_dim3A_146 = vector.broadcast %jit3A_145 : i32 to vector<16xi32>
    %select_n3A_147 = arith.select %gt3A_143, %broadcast_in_dim3A_146, %select_n3A_138 : vector<16xi1>, vector<16xi32>
    %get3A_148 = arith.constant 4 : i32
    %get3A_149 = arith.index_cast %get3A_148 : i32 to index
    %get3A_150 = arith.index_cast %add3A_114 : i32 to index
    %get3A_151 = tpu.vector_load %arg8[%get3A_149, %get3A_150] {strides = array<i32>} : memref<8x1024xf32, #tpu.memory_space<vmem>>, vector<16xf32>,
    %gt3A_152 = arith.cmpf ogt, %get3A_151, %select_n3A_144 : vector<16xf32>
    %select_n3A_153 = arith.select %gt3A_152, %get3A_151, %select_n3A_144 : vector<16xi1>, vector<16xf32>
    %jit3A_154 = arith.constant 4 : i32
    %broadcast_in_dim3A_155 = vector.broadcast %jit3A_154 : i32 to vector<16xi32>
    %select_n3A_156 = arith.select %gt3A_152, %broadcast_in_dim3A_155, %select_n3A_147 : vector<16xi1>, vector<16xi32>
    %get3A_157 = arith.constant 5 : i32
    %get3A_158 = arith.index_cast %get3A_157 : i32 to index
    %get3A_159 = arith.index_cast %add3A_114 : i32 to index
    %get3A_160 = tpu.vector_load %arg8[%get3A_158, %get3A_159] {strides = array<i32>} : memref<8x1024xf32, #tpu.memory_space<vmem>>, vector<16xf32>,
    %gt3A_161 = arith.cmpf ogt, %get3A_160, %select_n3A_153 : vector<16xf32>
    %select_n3A_162 = arith.select %gt3A_161, %get3A_160, %select_n3A_153 : vector<16xi1>, vector<16xf32>
    %jit3A_163 = arith.constant 5 : i32
    %broadcast_in_dim3A_164 = vector.broadcast %jit3A_163 : i32 to vector<16xi32>
    %select_n3A_165 = arith.select %gt3A_161, %broadcast_in_dim3A_164, %select_n3A_156 : vector<16xi1>, vector<16xi32>
    %get3A_166 = arith.constant 6 : i32
    %get3A_167 = arith.index_cast %get3A_166 : i32 to index
    %get3A_168 = arith.index_cast %add3A_114 : i32 to index
    %get3A_169 = tpu.vector_load %arg8[%get3A_167, %get3A_168] {strides = array<i32>} : memref<8x1024xf32, #tpu.memory_space<vmem>>, vector<16xf32>,
    %gt3A_170 = arith.cmpf ogt, %get3A_169, %select_n3A_162 : vector<16xf32>
    %select_n3A_171 = arith.select %gt3A_170, %get3A_169, %select_n3A_162 : vector<16xi1>, vector<16xf32>
    %jit3A_172 = arith.constant 6 : i32
    %broadcast_in_dim3A_173 = vector.broadcast %jit3A_172 : i32 to vector<16xi32>
    %select_n3A_174 = arith.select %gt3A_170, %broadcast_in_dim3A_173, %select_n3A_165 : vector<16xi1>, vector<16xi32>
    %get3A_175 = arith.constant 7 : i32
    %get3A_176 = arith.index_cast %get3A_175 : i32 to index
    %get3A_177 = arith.index_cast %add3A_114 : i32 to index
    %get3A_178 = tpu.vector_load %arg8[%get3A_176, %get3A_177] {strides = array<i32>} : memref<8x1024xf32, #tpu.memory_space<vmem>>, vector<16xf32>,
    %gt3A_179 = arith.cmpf ogt, %get3A_178, %select_n3A_171 : vector<16xf32>
    %select_n3A_180 = arith.select %gt3A_179, %get3A_178, %select_n3A_171 : vector<16xi1>, vector<16xf32>
    %jit3A_181 = arith.constant 7 : i32
    %broadcast_in_dim3A_182 = vector.broadcast %jit3A_181 : i32 to vector<16xi32>
    %select_n3A_183 = arith.select %gt3A_179, %broadcast_in_dim3A_182, %select_n3A_174 : vector<16xi1>, vector<16xi32>
    %swap3A_184 = arith.constant 16 : index
    %swap3A_185 = tpu.vector_load %arg11[%swap3A_184] {strides = array<i32>} : memref<32xi32, #tpu.memory_space<vmem>>, vector<16xi32>,
    tpu.vector_store %arg11[%swap3A_184], %select_n3A_183 {strides = array<i32>} : memref<32xi32, #tpu.memory_space<vmem>>, vector<16xi32>,
    %dma_start3A_186 = tpu.memref_slice %arg6[%mul3A_34] : memref<1024xi32, #tpu.memory_space<hbm>> -> memref<32xi32, #tpu.memory_space<hbm>>
    %dma_start3A_187 = tpu.memref_slice %arg6[%mul3A_34] : memref<1024xi32, #tpu.memory_space<hbm>> -> memref<32xi32, #tpu.memory_space<hbm>>
    tpu.enqueue_dma source(%arg11 : memref<32xi32, #tpu.memory_space<vmem>>) target(%dma_start3A_187 : memref<32xi32, #tpu.memory_space<hbm>>) target_semaphore(%arg15 : memref<!tpu.dma_semaphore, #tpu.memory_space<semaphore_mem>>)
    %dma_wait3A = arith.constant 0 : i32
    %dma_wait3A_188 = tpu.memref_slice %arg2[%select_n3A, %dma_wait3A] : memref<16x768xf32, #tpu.memory_space<hbm>> -> memref<1x768xf32, #tpu.memory_space<hbm>>
    %dma_wait3A_189 = tpu.memref_squeeze %dma_wait3A_188 : memref<1x768xf32, #tpu.memory_space<hbm>> -> memref<768xf32, #tpu.memory_space<hbm>>
    %dma_wait3A_190 = arith.constant 0 : i32
    %dma_wait3A_191 = tpu.memref_slice %arg2[%select_n3A, %dma_wait3A_190] : memref<16x768xf32, #tpu.memory_space<hbm>> -> memref<1x768xf32, #tpu.memory_space<hbm>>
    %dma_wait3A_192 = tpu.memref_squeeze %dma_wait3A_191 : memref<1x768xf32, #tpu.memory_space<hbm>> -> memref<768xf32, #tpu.memory_space<hbm>>
    tpu.wait_dma2 semaphore(%arg12 : memref<!tpu.dma_semaphore, #tpu.memory_space<semaphore_mem>>) src(%dma_wait3A_192 : memref<768xf32, #tpu.memory_space<hbm>>) dst(%arg7 : memref<768xf32, #tpu.memory_space<vmem>>)
    %dma_wait3A_193 = arith.constant 0 : i32
    %dma_wait3A_194 = tpu.memref_slice %arg4[%mul3A_32, %dma_wait3A_193] : memref<8x1024xi32, #tpu.memory_space<hbm>> -> memref<4x1024xi32, #tpu.memory_space<hbm>>
    %dma_wait3A_195 = arith.constant 0 : i32
    %dma_wait3A_196 = tpu.memref_slice %arg4[%mul3A_32, %dma_wait3A_195] : memref<8x1024xi32, #tpu.memory_space<hbm>> -> memref<4x1024xi32, #tpu.memory_space<hbm>>
    tpu.wait_dma2 semaphore(%arg14 : memref<!tpu.dma_semaphore, #tpu.memory_space<semaphore_mem>>) src(%dma_wait3A_196 : memref<4x1024xi32, #tpu.memory_space<hbm>>) dst(%arg9 : memref<4x1024xi32, #tpu.memory_space<vmem>>)
    %scan3A = arith.constant 0 : i32
    %scan3A_197 = arith.constant 0 : i32
    %scan3A_198 = arith.constant 16 : i32
    %scan3A_199 = arith.addi %scan3A_197, %scan3A_198 : i32
    %scan3A_200 = arith.constant 1 : i32
    %scan3A_201 = scf.for %scan3A_346 = %scan3A_197 to %scan3A_199 step %scan3A_200 iter_args(%scan3A_347 = %scan3A) -> (i32)  : i32 {
      %mul3A_348 = arith.constant 64 : i32
      %mul3A_349 = arith.muli %mul3A_348, %scan3A_346 : i32
      %add3A_350 = arith.constant 0 : i32
      %add3A_351 = arith.addi %mul3A_349, %add3A_350 : i32
      %get3A_352 = arith.constant 0 : i32
      %get3A_353 = arith.index_cast %get3A_352 : i32 to index
      %get3A_354 = arith.index_cast %add3A_351 : i32 to index
      %get3A_355 = tpu.vector_load %arg9[%get3A_353, %get3A_354] {strides = array<i32>} : memref<4x1024xi32, #tpu.memory_space<vmem>>, vector<16xi32>,
      %gather3A = tpu.vector_load_idx %arg7[%get3A_355] : memref<768xf32, #tpu.memory_space<vmem>>[vector<16xi32>], vector<16xf32>,
      %swap3A_356 = arith.constant 0 : i32
      %swap3A_357 = arith.index_cast %swap3A_356 : i32 to index
      %swap3A_358 = arith.index_cast %add3A_351 : i32 to index
      %swap3A_359 = tpu.vector_load %arg10[%swap3A_357, %swap3A_358] {strides = array<i32>} : memref<4x1024xf32, #tpu.memory_space<vmem>>, vector<16xf32>,
      tpu.vector_store %arg10[%swap3A_357, %swap3A_358], %gather3A {strides = array<i32>} : memref<4x1024xf32, #tpu.memory_space<vmem>>, vector<16xf32>,
      %mul3A_360 = arith.constant 64 : i32
      %mul3A_361 = arith.muli %mul3A_360, %scan3A_346 : i32
      %add3A_362 = arith.constant 16 : i32
      %add3A_363 = arith.addi %mul3A_361, %add3A_362 : i32
      %get3A_364 = arith.constant 0 : i32
      %get3A_365 = arith.index_cast %get3A_364 : i32 to index
      %get3A_366 = arith.index_cast %add3A_363 : i32 to index
      %get3A_367 = tpu.vector_load %arg9[%get3A_365, %get3A_366] {strides = array<i32>} : memref<4x1024xi32, #tpu.memory_space<vmem>>, vector<16xi32>,
      %gather3A_368 = tpu.vector_load_idx %arg7[%get3A_367] : memref<768xf32, #tpu.memory_space<vmem>>[vector<16xi32>], vector<16xf32>,
      %swap3A_369 = arith.constant 0 : i32
      %swap3A_370 = arith.index_cast %swap3A_369 : i32 to index
      %swap3A_371 = arith.index_cast %add3A_363 : i32 to index
      %swap3A_372 = tpu.vector_load %arg10[%swap3A_370, %swap3A_371] {strides = array<i32>} : memref<4x1024xf32, #tpu.memory_space<vmem>>, vector<16xf32>,
      tpu.vector_store %arg10[%swap3A_370, %swap3A_371], %gather3A_368 {strides = array<i32>} : memref<4x1024xf32, #tpu.memory_space<vmem>>, vector<16xf32>,
      %mul3A_373 = arith.constant 64 : i32
      %mul3A_374 = arith.muli %mul3A_373, %scan3A_346 : i32
      %add3A_375 = arith.constant 32 : i32
      %add3A_376 = arith.addi %mul3A_374, %add3A_375 : i32
      %get3A_377 = arith.constant 0 : i32
      %get3A_378 = arith.index_cast %get3A_377 : i32 to index
      %get3A_379 = arith.index_cast %add3A_376 : i32 to index
      %get3A_380 = tpu.vector_load %arg9[%get3A_378, %get3A_379] {strides = array<i32>} : memref<4x1024xi32, #tpu.memory_space<vmem>>, vector<16xi32>,
      %gather3A_381 = tpu.vector_load_idx %arg7[%get3A_380] : memref<768xf32, #tpu.memory_space<vmem>>[vector<16xi32>], vector<16xf32>,
      %swap3A_382 = arith.constant 0 : i32
      %swap3A_383 = arith.index_cast %swap3A_382 : i32 to index
      %swap3A_384 = arith.index_cast %add3A_376 : i32 to index
      %swap3A_385 = tpu.vector_load %arg10[%swap3A_383, %swap3A_384] {strides = array<i32>} : memref<4x1024xf32, #tpu.memory_space<vmem>>, vector<16xf32>,
      tpu.vector_store %arg10[%swap3A_383, %swap3A_384], %gather3A_381 {strides = array<i32>} : memref<4x1024xf32, #tpu.memory_space<vmem>>, vector<16xf32>,
      %mul3A_386 = arith.constant 64 : i32
      %mul3A_387 = arith.muli %mul3A_386, %scan3A_346 : i32
      %add3A_388 = arith.constant 48 : i32
      %add3A_389 = arith.addi %mul3A_387, %add3A_388 : i32
      %get3A_390 = arith.constant 0 : i32
      %get3A_391 = arith.index_cast %get3A_390 : i32 to index
      %get3A_392 = arith.index_cast %add3A_389 : i32 to index
      %get3A_393 = tpu.vector_load %arg9[%get3A_391, %get3A_392] {strides = array<i32>} : memref<4x1024xi32, #tpu.memory_space<vmem>>, vector<16xi32>,
      %gather3A_394 = tpu.vector_load_idx %arg7[%get3A_393] : memref<768xf32, #tpu.memory_space<vmem>>[vector<16xi32>], vector<16xf32>,
      %swap3A_395 = arith.constant 0 : i32
      %swap3A_396 = arith.index_cast %swap3A_395 : i32 to index
      %swap3A_397 = arith.index_cast %add3A_389 : i32 to index
      %swap3A_398 = tpu.vector_load %arg10[%swap3A_396, %swap3A_397] {strides = array<i32>} : memref<4x1024xf32, #tpu.memory_space<vmem>>, vector<16xf32>,
      tpu.vector_store %arg10[%swap3A_396, %swap3A_397], %gather3A_394 {strides = array<i32>} : memref<4x1024xf32, #tpu.memory_space<vmem>>, vector<16xf32>,
      %scan3A_399 = arith.constant 0 : i32
      scf.yield %scan3A_399 : i32
    }
    %scan3A_202 = arith.constant 16 : i32
    %mul3A_203 = arith.constant 4 : i32
    %mul3A_204 = arith.muli %add3A, %mul3A_203 : i32
    %add3A_205 = arith.constant 0 : i32
    %add3A_206 = arith.addi %mul3A_204, %add3A_205 : i32
    %dma_start3A_207 = arith.constant 0 : i32
    %dma_start3A_208 = arith.constant 0 : i32
    %dma_start3A_209 = tpu.memref_slice %arg10[%dma_start3A_207, %dma_start3A_208] : memref<4x1024xf32, #tpu.memory_space<vmem>> -> memref<1x1024xf32, #tpu.memory_space<vmem>>
    %dma_start3A_210 = tpu.memref_squeeze %dma_start3A_209 : memref<1x1024xf32, #tpu.memory_space<vmem>> -> memref<1024xf32, #tpu.memory_space<vmem>>
    %dma_start3A_211 = arith.constant 0 : i32
    %dma_start3A_212 = tpu.memref_slice %arg5[%add3A_206, %dma_start3A_211] : memref<128x1024xf32, #tpu.memory_space<hbm>> -> memref<1x1024xf32, #tpu.memory_space<hbm>>
    %dma_start3A_213 = tpu.memref_squeeze %dma_start3A_212 : memref<1x1024xf32, #tpu.memory_space<hbm>> -> memref<1024xf32, #tpu.memory_space<hbm>>
    %dma_start3A_214 = arith.constant 0 : i32
    %dma_start3A_215 = tpu.memref_slice %arg5[%add3A_206, %dma_start3A_214] : memref<128x1024xf32, #tpu.memory_space<hbm>> -> memref<1x1024xf32, #tpu.memory_space<hbm>>
    %dma_start3A_216 = tpu.memref_squeeze %dma_start3A_215 : memref<1x1024xf32, #tpu.memory_space<hbm>> -> memref<1024xf32, #tpu.memory_space<hbm>>
    %dma_start3A_217 = arith.constant 0 : i32
    %dma_start3A_218 = tpu.memref_slice %arg10[%dma_start3A_207, %dma_start3A_217] : memref<4x1024xf32, #tpu.memory_space<vmem>> -> memref<1x1024xf32, #tpu.memory_space<vmem>>
    %dma_start3A_219 = tpu.memref_squeeze %dma_start3A_218 : memref<1x1024xf32, #tpu.memory_space<vmem>> -> memref<1024xf32, #tpu.memory_space<vmem>>
    tpu.enqueue_dma source(%dma_start3A_219 : memref<1024xf32, #tpu.memory_space<vmem>>) target(%dma_start3A_216 : memref<1024xf32, #tpu.memory_space<hbm>>) target_semaphore(%arg15 : memref<!tpu.dma_semaphore, #tpu.memory_space<semaphore_mem>>)
    %scan3A_220 = arith.constant 0 : i32
    %scan3A_221 = arith.constant 0 : i32
    %scan3A_222 = arith.constant 16 : i32
    %scan3A_223 = arith.addi %scan3A_221, %scan3A_222 : i32
    %scan3A_224 = arith.constant 1 : i32
    %scan3A_225 = scf.for %scan3A_346 = %scan3A_221 to %scan3A_223 step %scan3A_224 iter_args(%scan3A_347 = %scan3A_220) -> (i32)  : i32 {
      %mul3A_348 = arith.constant 64 : i32
      %mul3A_349 = arith.muli %mul3A_348, %scan3A_346 : i32
      %add3A_350 = arith.constant 0 : i32
      %add3A_351 = arith.addi %mul3A_349, %add3A_350 : i32
      %get3A_352 = arith.constant 1 : i32
      %get3A_353 = arith.index_cast %get3A_352 : i32 to index
      %get3A_354 = arith.index_cast %add3A_351 : i32 to index
      %get3A_355 = tpu.vector_load %arg9[%get3A_353, %get3A_354] {strides = array<i32>} : memref<4x1024xi32, #tpu.memory_space<vmem>>, vector<16xi32>,
      %gather3A = tpu.vector_load_idx %arg7[%get3A_355] : memref<768xf32, #tpu.memory_space<vmem>>[vector<16xi32>], vector<16xf32>,
      %swap3A_356 = arith.constant 1 : i32
      %swap3A_357 = arith.index_cast %swap3A_356 : i32 to index
      %swap3A_358 = arith.index_cast %add3A_351 : i32 to index
      %swap3A_359 = tpu.vector_load %arg10[%swap3A_357, %swap3A_358] {strides = array<i32>} : memref<4x1024xf32, #tpu.memory_space<vmem>>, vector<16xf32>,
      tpu.vector_store %arg10[%swap3A_357, %swap3A_358], %gather3A {strides = array<i32>} : memref<4x1024xf32, #tpu.memory_space<vmem>>, vector<16xf32>,
      %mul3A_360 = arith.constant 64 : i32
      %mul3A_361 = arith.muli %mul3A_360, %scan3A_346 : i32
      %add3A_362 = arith.constant 16 : i32
      %add3A_363 = arith.addi %mul3A_361, %add3A_362 : i32
      %get3A_364 = arith.constant 1 : i32
      %get3A_365 = arith.index_cast %get3A_364 : i32 to index
      %get3A_366 = arith.index_cast %add3A_363 : i32 to index
      %get3A_367 = tpu.vector_load %arg9[%get3A_365, %get3A_366] {strides = array<i32>} : memref<4x1024xi32, #tpu.memory_space<vmem>>, vector<16xi32>,
      %gather3A_368 = tpu.vector_load_idx %arg7[%get3A_367] : memref<768xf32, #tpu.memory_space<vmem>>[vector<16xi32>], vector<16xf32>,
      %swap3A_369 = arith.constant 1 : i32
      %swap3A_370 = arith.index_cast %swap3A_369 : i32 to index
      %swap3A_371 = arith.index_cast %add3A_363 : i32 to index
      %swap3A_372 = tpu.vector_load %arg10[%swap3A_370, %swap3A_371] {strides = array<i32>} : memref<4x1024xf32, #tpu.memory_space<vmem>>, vector<16xf32>,
      tpu.vector_store %arg10[%swap3A_370, %swap3A_371], %gather3A_368 {strides = array<i32>} : memref<4x1024xf32, #tpu.memory_space<vmem>>, vector<16xf32>,
      %mul3A_373 = arith.constant 64 : i32
      %mul3A_374 = arith.muli %mul3A_373, %scan3A_346 : i32
      %add3A_375 = arith.constant 32 : i32
      %add3A_376 = arith.addi %mul3A_374, %add3A_375 : i32
      %get3A_377 = arith.constant 1 : i32
      %get3A_378 = arith.index_cast %get3A_377 : i32 to index
      %get3A_379 = arith.index_cast %add3A_376 : i32 to index
      %get3A_380 = tpu.vector_load %arg9[%get3A_378, %get3A_379] {strides = array<i32>} : memref<4x1024xi32, #tpu.memory_space<vmem>>, vector<16xi32>,
      %gather3A_381 = tpu.vector_load_idx %arg7[%get3A_380] : memref<768xf32, #tpu.memory_space<vmem>>[vector<16xi32>], vector<16xf32>,
      %swap3A_382 = arith.constant 1 : i32
      %swap3A_383 = arith.index_cast %swap3A_382 : i32 to index
      %swap3A_384 = arith.index_cast %add3A_376 : i32 to index
      %swap3A_385 = tpu.vector_load %arg10[%swap3A_383, %swap3A_384] {strides = array<i32>} : memref<4x1024xf32, #tpu.memory_space<vmem>>, vector<16xf32>,
      tpu.vector_store %arg10[%swap3A_383, %swap3A_384], %gather3A_381 {strides = array<i32>} : memref<4x1024xf32, #tpu.memory_space<vmem>>, vector<16xf32>,
      %mul3A_386 = arith.constant 64 : i32
      %mul3A_387 = arith.muli %mul3A_386, %scan3A_346 : i32
      %add3A_388 = arith.constant 48 : i32
      %add3A_389 = arith.addi %mul3A_387, %add3A_388 : i32
      %get3A_390 = arith.constant 1 : i32
      %get3A_391 = arith.index_cast %get3A_390 : i32 to index
      %get3A_392 = arith.index_cast %add3A_389 : i32 to index
      %get3A_393 = tpu.vector_load %arg9[%get3A_391, %get3A_392] {strides = array<i32>} : memref<4x1024xi32, #tpu.memory_space<vmem>>, vector<16xi32>,
      %gather3A_394 = tpu.vector_load_idx %arg7[%get3A_393] : memref<768xf32, #tpu.memory_space<vmem>>[vector<16xi32>], vector<16xf32>,
      %swap3A_395 = arith.constant 1 : i32
      %swap3A_396 = arith.index_cast %swap3A_395 : i32 to index
      %swap3A_397 = arith.index_cast %add3A_389 : i32 to index
      %swap3A_398 = tpu.vector_load %arg10[%swap3A_396, %swap3A_397] {strides = array<i32>} : memref<4x1024xf32, #tpu.memory_space<vmem>>, vector<16xf32>,
      tpu.vector_store %arg10[%swap3A_396, %swap3A_397], %gather3A_394 {strides = array<i32>} : memref<4x1024xf32, #tpu.memory_space<vmem>>, vector<16xf32>,
      %scan3A_399 = arith.constant 0 : i32
      scf.yield %scan3A_399 : i32
    }
    %scan3A_226 = arith.constant 16 : i32
    %mul3A_227 = arith.constant 4 : i32
    %mul3A_228 = arith.muli %add3A, %mul3A_227 : i32
    %add3A_229 = arith.constant 1 : i32
    %add3A_230 = arith.addi %mul3A_228, %add3A_229 : i32
    %dma_start3A_231 = arith.constant 1 : i32
    %dma_start3A_232 = arith.constant 0 : i32
    %dma_start3A_233 = tpu.memref_slice %arg10[%dma_start3A_231, %dma_start3A_232] : memref<4x1024xf32, #tpu.memory_space<vmem>> -> memref<1x1024xf32, #tpu.memory_space<vmem>>
    %dma_start3A_234 = tpu.memref_squeeze %dma_start3A_233 : memref<1x1024xf32, #tpu.memory_space<vmem>> -> memref<1024xf32, #tpu.memory_space<vmem>>
    %dma_start3A_235 = arith.constant 0 : i32
    %dma_start3A_236 = tpu.memref_slice %arg5[%add3A_230, %dma_start3A_235] : memref<128x1024xf32, #tpu.memory_space<hbm>> -> memref<1x1024xf32, #tpu.memory_space<hbm>>
    %dma_start3A_237 = tpu.memref_squeeze %dma_start3A_236 : memref<1x1024xf32, #tpu.memory_space<hbm>> -> memref<1024xf32, #tpu.memory_space<hbm>>
    %dma_start3A_238 = arith.constant 0 : i32
    %dma_start3A_239 = tpu.memref_slice %arg5[%add3A_230, %dma_start3A_238] : memref<128x1024xf32, #tpu.memory_space<hbm>> -> memref<1x1024xf32, #tpu.memory_space<hbm>>
    %dma_start3A_240 = tpu.memref_squeeze %dma_start3A_239 : memref<1x1024xf32, #tpu.memory_space<hbm>> -> memref<1024xf32, #tpu.memory_space<hbm>>
    %dma_start3A_241 = arith.constant 0 : i32
    %dma_start3A_242 = tpu.memref_slice %arg10[%dma_start3A_231, %dma_start3A_241] : memref<4x1024xf32, #tpu.memory_space<vmem>> -> memref<1x1024xf32, #tpu.memory_space<vmem>>
    %dma_start3A_243 = tpu.memref_squeeze %dma_start3A_242 : memref<1x1024xf32, #tpu.memory_space<vmem>> -> memref<1024xf32, #tpu.memory_space<vmem>>
    tpu.enqueue_dma source(%dma_start3A_243 : memref<1024xf32, #tpu.memory_space<vmem>>) target(%dma_start3A_240 : memref<1024xf32, #tpu.memory_space<hbm>>) target_semaphore(%arg15 : memref<!tpu.dma_semaphore, #tpu.memory_space<semaphore_mem>>)
    %scan3A_244 = arith.constant 0 : i32
    %scan3A_245 = arith.constant 0 : i32
    %scan3A_246 = arith.constant 16 : i32
    %scan3A_247 = arith.addi %scan3A_245, %scan3A_246 : i32
    %scan3A_248 = arith.constant 1 : i32
    %scan3A_249 = scf.for %scan3A_346 = %scan3A_245 to %scan3A_247 step %scan3A_248 iter_args(%scan3A_347 = %scan3A_244) -> (i32)  : i32 {
      %mul3A_348 = arith.constant 64 : i32
      %mul3A_349 = arith.muli %mul3A_348, %scan3A_346 : i32
      %add3A_350 = arith.constant 0 : i32
      %add3A_351 = arith.addi %mul3A_349, %add3A_350 : i32
      %get3A_352 = arith.constant 2 : i32
      %get3A_353 = arith.index_cast %get3A_352 : i32 to index
      %get3A_354 = arith.index_cast %add3A_351 : i32 to index
      %get3A_355 = tpu.vector_load %arg9[%get3A_353, %get3A_354] {strides = array<i32>} : memref<4x1024xi32, #tpu.memory_space<vmem>>, vector<16xi32>,
      %gather3A = tpu.vector_load_idx %arg7[%get3A_355] : memref<768xf32, #tpu.memory_space<vmem>>[vector<16xi32>], vector<16xf32>,
      %swap3A_356 = arith.constant 2 : i32
      %swap3A_357 = arith.index_cast %swap3A_356 : i32 to index
      %swap3A_358 = arith.index_cast %add3A_351 : i32 to index
      %swap3A_359 = tpu.vector_load %arg10[%swap3A_357, %swap3A_358] {strides = array<i32>} : memref<4x1024xf32, #tpu.memory_space<vmem>>, vector<16xf32>,
      tpu.vector_store %arg10[%swap3A_357, %swap3A_358], %gather3A {strides = array<i32>} : memref<4x1024xf32, #tpu.memory_space<vmem>>, vector<16xf32>,
      %mul3A_360 = arith.constant 64 : i32
      %mul3A_361 = arith.muli %mul3A_360, %scan3A_346 : i32
      %add3A_362 = arith.constant 16 : i32
      %add3A_363 = arith.addi %mul3A_361, %add3A_362 : i32
      %get3A_364 = arith.constant 2 : i32
      %get3A_365 = arith.index_cast %get3A_364 : i32 to index
      %get3A_366 = arith.index_cast %add3A_363 : i32 to index
      %get3A_367 = tpu.vector_load %arg9[%get3A_365, %get3A_366] {strides = array<i32>} : memref<4x1024xi32, #tpu.memory_space<vmem>>, vector<16xi32>,
      %gather3A_368 = tpu.vector_load_idx %arg7[%get3A_367] : memref<768xf32, #tpu.memory_space<vmem>>[vector<16xi32>], vector<16xf32>,
      %swap3A_369 = arith.constant 2 : i32
      %swap3A_370 = arith.index_cast %swap3A_369 : i32 to index
      %swap3A_371 = arith.index_cast %add3A_363 : i32 to index
      %swap3A_372 = tpu.vector_load %arg10[%swap3A_370, %swap3A_371] {strides = array<i32>} : memref<4x1024xf32, #tpu.memory_space<vmem>>, vector<16xf32>,
      tpu.vector_store %arg10[%swap3A_370, %swap3A_371], %gather3A_368 {strides = array<i32>} : memref<4x1024xf32, #tpu.memory_space<vmem>>, vector<16xf32>,
      %mul3A_373 = arith.constant 64 : i32
      %mul3A_374 = arith.muli %mul3A_373, %scan3A_346 : i32
      %add3A_375 = arith.constant 32 : i32
      %add3A_376 = arith.addi %mul3A_374, %add3A_375 : i32
      %get3A_377 = arith.constant 2 : i32
      %get3A_378 = arith.index_cast %get3A_377 : i32 to index
      %get3A_379 = arith.index_cast %add3A_376 : i32 to index
      %get3A_380 = tpu.vector_load %arg9[%get3A_378, %get3A_379] {strides = array<i32>} : memref<4x1024xi32, #tpu.memory_space<vmem>>, vector<16xi32>,
      %gather3A_381 = tpu.vector_load_idx %arg7[%get3A_380] : memref<768xf32, #tpu.memory_space<vmem>>[vector<16xi32>], vector<16xf32>,
      %swap3A_382 = arith.constant 2 : i32
      %swap3A_383 = arith.index_cast %swap3A_382 : i32 to index
      %swap3A_384 = arith.index_cast %add3A_376 : i32 to index
      %swap3A_385 = tpu.vector_load %arg10[%swap3A_383, %swap3A_384] {strides = array<i32>} : memref<4x1024xf32, #tpu.memory_space<vmem>>, vector<16xf32>,
      tpu.vector_store %arg10[%swap3A_383, %swap3A_384], %gather3A_381 {strides = array<i32>} : memref<4x1024xf32, #tpu.memory_space<vmem>>, vector<16xf32>,
      %mul3A_386 = arith.constant 64 : i32
      %mul3A_387 = arith.muli %mul3A_386, %scan3A_346 : i32
      %add3A_388 = arith.constant 48 : i32
      %add3A_389 = arith.addi %mul3A_387, %add3A_388 : i32
      %get3A_390 = arith.constant 2 : i32
      %get3A_391 = arith.index_cast %get3A_390 : i32 to index
      %get3A_392 = arith.index_cast %add3A_389 : i32 to index
      %get3A_393 = tpu.vector_load %arg9[%get3A_391, %get3A_392] {strides = array<i32>} : memref<4x1024xi32, #tpu.memory_space<vmem>>, vector<16xi32>,
      %gather3A_394 = tpu.vector_load_idx %arg7[%get3A_393] : memref<768xf32, #tpu.memory_space<vmem>>[vector<16xi32>], vector<16xf32>,
      %swap3A_395 = arith.constant 2 : i32
      %swap3A_396 = arith.index_cast %swap3A_395 : i32 to index
      %swap3A_397 = arith.index_cast %add3A_389 : i32 to index
      %swap3A_398 = tpu.vector_load %arg10[%swap3A_396, %swap3A_397] {strides = array<i32>} : memref<4x1024xf32, #tpu.memory_space<vmem>>, vector<16xf32>,
      tpu.vector_store %arg10[%swap3A_396, %swap3A_397], %gather3A_394 {strides = array<i32>} : memref<4x1024xf32, #tpu.memory_space<vmem>>, vector<16xf32>,
      %scan3A_399 = arith.constant 0 : i32
      scf.yield %scan3A_399 : i32
    }
    %scan3A_250 = arith.constant 16 : i32
    %mul3A_251 = arith.constant 4 : i32
    %mul3A_252 = arith.muli %add3A, %mul3A_251 : i32
    %add3A_253 = arith.constant 2 : i32
    %add3A_254 = arith.addi %mul3A_252, %add3A_253 : i32
    %dma_start3A_255 = arith.constant 2 : i32
    %dma_start3A_256 = arith.constant 0 : i32
    %dma_start3A_257 = tpu.memref_slice %arg10[%dma_start3A_255, %dma_start3A_256] : memref<4x1024xf32, #tpu.memory_space<vmem>> -> memref<1x1024xf32, #tpu.memory_space<vmem>>
    %dma_start3A_258 = tpu.memref_squeeze %dma_start3A_257 : memref<1x1024xf32, #tpu.memory_space<vmem>> -> memref<1024xf32, #tpu.memory_space<vmem>>
    %dma_start3A_259 = arith.constant 0 : i32
    %dma_start3A_260 = tpu.memref_slice %arg5[%add3A_254, %dma_start3A_259] : memref<128x1024xf32, #tpu.memory_space<hbm>> -> memref<1x1024xf32, #tpu.memory_space<hbm>>
    %dma_start3A_261 = tpu.memref_squeeze %dma_start3A_260 : memref<1x1024xf32, #tpu.memory_space<hbm>> -> memref<1024xf32, #tpu.memory_space<hbm>>
    %dma_start3A_262 = arith.constant 0 : i32
    %dma_start3A_263 = tpu.memref_slice %arg5[%add3A_254, %dma_start3A_262] : memref<128x1024xf32, #tpu.memory_space<hbm>> -> memref<1x1024xf32, #tpu.memory_space<hbm>>
    %dma_start3A_264 = tpu.memref_squeeze %dma_start3A_263 : memref<1x1024xf32, #tpu.memory_space<hbm>> -> memref<1024xf32, #tpu.memory_space<hbm>>
    %dma_start3A_265 = arith.constant 0 : i32
    %dma_start3A_266 = tpu.memref_slice %arg10[%dma_start3A_255, %dma_start3A_265] : memref<4x1024xf32, #tpu.memory_space<vmem>> -> memref<1x1024xf32, #tpu.memory_space<vmem>>
    %dma_start3A_267 = tpu.memref_squeeze %dma_start3A_266 : memref<1x1024xf32, #tpu.memory_space<vmem>> -> memref<1024xf32, #tpu.memory_space<vmem>>
    tpu.enqueue_dma source(%dma_start3A_267 : memref<1024xf32, #tpu.memory_space<vmem>>) target(%dma_start3A_264 : memref<1024xf32, #tpu.memory_space<hbm>>) target_semaphore(%arg15 : memref<!tpu.dma_semaphore, #tpu.memory_space<semaphore_mem>>)
    %scan3A_268 = arith.constant 0 : i32
    %scan3A_269 = arith.constant 0 : i32
    %scan3A_270 = arith.constant 16 : i32
    %scan3A_271 = arith.addi %scan3A_269, %scan3A_270 : i32
    %scan3A_272 = arith.constant 1 : i32
    %scan3A_273 = scf.for %scan3A_346 = %scan3A_269 to %scan3A_271 step %scan3A_272 iter_args(%scan3A_347 = %scan3A_268) -> (i32)  : i32 {
      %mul3A_348 = arith.constant 64 : i32
      %mul3A_349 = arith.muli %mul3A_348, %scan3A_346 : i32
      %add3A_350 = arith.constant 0 : i32
      %add3A_351 = arith.addi %mul3A_349, %add3A_350 : i32
      %get3A_352 = arith.constant 3 : i32
      %get3A_353 = arith.index_cast %get3A_352 : i32 to index
      %get3A_354 = arith.index_cast %add3A_351 : i32 to index
      %get3A_355 = tpu.vector_load %arg9[%get3A_353, %get3A_354] {strides = array<i32>} : memref<4x1024xi32, #tpu.memory_space<vmem>>, vector<16xi32>,
      %gather3A = tpu.vector_load_idx %arg7[%get3A_355] : memref<768xf32, #tpu.memory_space<vmem>>[vector<16xi32>], vector<16xf32>,
      %swap3A_356 = arith.constant 3 : i32
      %swap3A_357 = arith.index_cast %swap3A_356 : i32 to index
      %swap3A_358 = arith.index_cast %add3A_351 : i32 to index
      %swap3A_359 = tpu.vector_load %arg10[%swap3A_357, %swap3A_358] {strides = array<i32>} : memref<4x1024xf32, #tpu.memory_space<vmem>>, vector<16xf32>,
      tpu.vector_store %arg10[%swap3A_357, %swap3A_358], %gather3A {strides = array<i32>} : memref<4x1024xf32, #tpu.memory_space<vmem>>, vector<16xf32>,
      %mul3A_360 = arith.constant 64 : i32
      %mul3A_361 = arith.muli %mul3A_360, %scan3A_346 : i32
      %add3A_362 = arith.constant 16 : i32
      %add3A_363 = arith.addi %mul3A_361, %add3A_362 : i32
      %get3A_364 = arith.constant 3 : i32
      %get3A_365 = arith.index_cast %get3A_364 : i32 to index
      %get3A_366 = arith.index_cast %add3A_363 : i32 to index
      %get3A_367 = tpu.vector_load %arg9[%get3A_365, %get3A_366] {strides = array<i32>} : memref<4x1024xi32, #tpu.memory_space<vmem>>, vector<16xi32>,
      %gather3A_368 = tpu.vector_load_idx %arg7[%get3A_367] : memref<768xf32, #tpu.memory_space<vmem>>[vector<16xi32>], vector<16xf32>,
      %swap3A_369 = arith.constant 3 : i32
      %swap3A_370 = arith.index_cast %swap3A_369 : i32 to index
      %swap3A_371 = arith.index_cast %add3A_363 : i32 to index
      %swap3A_372 = tpu.vector_load %arg10[%swap3A_370, %swap3A_371] {strides = array<i32>} : memref<4x1024xf32, #tpu.memory_space<vmem>>, vector<16xf32>,
      tpu.vector_store %arg10[%swap3A_370, %swap3A_371], %gather3A_368 {strides = array<i32>} : memref<4x1024xf32, #tpu.memory_space<vmem>>, vector<16xf32>,
      %mul3A_373 = arith.constant 64 : i32
      %mul3A_374 = arith.muli %mul3A_373, %scan3A_346 : i32
      %add3A_375 = arith.constant 32 : i32
      %add3A_376 = arith.addi %mul3A_374, %add3A_375 : i32
      %get3A_377 = arith.constant 3 : i32
      %get3A_378 = arith.index_cast %get3A_377 : i32 to index
      %get3A_379 = arith.index_cast %add3A_376 : i32 to index
      %get3A_380 = tpu.vector_load %arg9[%get3A_378, %get3A_379] {strides = array<i32>} : memref<4x1024xi32, #tpu.memory_space<vmem>>, vector<16xi32>,
      %gather3A_381 = tpu.vector_load_idx %arg7[%get3A_380] : memref<768xf32, #tpu.memory_space<vmem>>[vector<16xi32>], vector<16xf32>,
      %swap3A_382 = arith.constant 3 : i32
      %swap3A_383 = arith.index_cast %swap3A_382 : i32 to index
      %swap3A_384 = arith.index_cast %add3A_376 : i32 to index
      %swap3A_385 = tpu.vector_load %arg10[%swap3A_383, %swap3A_384] {strides = array<i32>} : memref<4x1024xf32, #tpu.memory_space<vmem>>, vector<16xf32>,
      tpu.vector_store %arg10[%swap3A_383, %swap3A_384], %gather3A_381 {strides = array<i32>} : memref<4x1024xf32, #tpu.memory_space<vmem>>, vector<16xf32>,
      %mul3A_386 = arith.constant 64 : i32
      %mul3A_387 = arith.muli %mul3A_386, %scan3A_346 : i32
      %add3A_388 = arith.constant 48 : i32
      %add3A_389 = arith.addi %mul3A_387, %add3A_388 : i32
      %get3A_390 = arith.constant 3 : i32
      %get3A_391 = arith.index_cast %get3A_390 : i32 to index
      %get3A_392 = arith.index_cast %add3A_389 : i32 to index
      %get3A_393 = tpu.vector_load %arg9[%get3A_391, %get3A_392] {strides = array<i32>} : memref<4x1024xi32, #tpu.memory_space<vmem>>, vector<16xi32>,
      %gather3A_394 = tpu.vector_load_idx %arg7[%get3A_393] : memref<768xf32, #tpu.memory_space<vmem>>[vector<16xi32>], vector<16xf32>,
      %swap3A_395 = arith.constant 3 : i32
      %swap3A_396 = arith.index_cast %swap3A_395 : i32 to index
      %swap3A_397 = arith.index_cast %add3A_389 : i32 to index
      %swap3A_398 = tpu.vector_load %arg10[%swap3A_396, %swap3A_397] {strides = array<i32>} : memref<4x1024xf32, #tpu.memory_space<vmem>>, vector<16xf32>,
      tpu.vector_store %arg10[%swap3A_396, %swap3A_397], %gather3A_394 {strides = array<i32>} : memref<4x1024xf32, #tpu.memory_space<vmem>>, vector<16xf32>,
      %scan3A_399 = arith.constant 0 : i32
      scf.yield %scan3A_399 : i32
    }
    %scan3A_274 = arith.constant 16 : i32
    %mul3A_275 = arith.constant 4 : i32
    %mul3A_276 = arith.muli %add3A, %mul3A_275 : i32
    %add3A_277 = arith.constant 3 : i32
    %add3A_278 = arith.addi %mul3A_276, %add3A_277 : i32
    %dma_start3A_279 = arith.constant 3 : i32
    %dma_start3A_280 = arith.constant 0 : i32
    %dma_start3A_281 = tpu.memref_slice %arg10[%dma_start3A_279, %dma_start3A_280] : memref<4x1024xf32, #tpu.memory_space<vmem>> -> memref<1x1024xf32, #tpu.memory_space<vmem>>
    %dma_start3A_282 = tpu.memref_squeeze %dma_start3A_281 : memref<1x1024xf32, #tpu.memory_space<vmem>> -> memref<1024xf32, #tpu.memory_space<vmem>>
    %dma_start3A_283 = arith.constant 0 : i32
    %dma_start3A_284 = tpu.memref_slice %arg5[%add3A_278, %dma_start3A_283] : memref<128x1024xf32, #tpu.memory_space<hbm>> -> memref<1x1024xf32, #tpu.memory_space<hbm>>
    %dma_start3A_285 = tpu.memref_squeeze %dma_start3A_284 : memref<1x1024xf32, #tpu.memory_space<hbm>> -> memref<1024xf32, #tpu.memory_space<hbm>>
    %dma_start3A_286 = arith.constant 0 : i32
    %dma_start3A_287 = tpu.memref_slice %arg5[%add3A_278, %dma_start3A_286] : memref<128x1024xf32, #tpu.memory_space<hbm>> -> memref<1x1024xf32, #tpu.memory_space<hbm>>
    %dma_start3A_288 = tpu.memref_squeeze %dma_start3A_287 : memref<1x1024xf32, #tpu.memory_space<hbm>> -> memref<1024xf32, #tpu.memory_space<hbm>>
    %dma_start3A_289 = arith.constant 0 : i32
    %dma_start3A_290 = tpu.memref_slice %arg10[%dma_start3A_279, %dma_start3A_289] : memref<4x1024xf32, #tpu.memory_space<vmem>> -> memref<1x1024xf32, #tpu.memory_space<vmem>>
    %dma_start3A_291 = tpu.memref_squeeze %dma_start3A_290 : memref<1x1024xf32, #tpu.memory_space<vmem>> -> memref<1024xf32, #tpu.memory_space<vmem>>
    tpu.enqueue_dma source(%dma_start3A_291 : memref<1024xf32, #tpu.memory_space<vmem>>) target(%dma_start3A_288 : memref<1024xf32, #tpu.memory_space<hbm>>) target_semaphore(%arg15 : memref<!tpu.dma_semaphore, #tpu.memory_space<semaphore_mem>>)
    %dma_wait3A_292 = tpu.memref_slice %arg6[%mul3A_34] : memref<1024xi32, #tpu.memory_space<hbm>> -> memref<32xi32, #tpu.memory_space<hbm>>
    %dma_wait3A_293 = tpu.memref_slice %arg6[%mul3A_34] : memref<1024xi32, #tpu.memory_space<hbm>> -> memref<32xi32, #tpu.memory_space<hbm>>
    tpu.wait_dma2 semaphore(%arg15 : memref<!tpu.dma_semaphore, #tpu.memory_space<semaphore_mem>>) src(%arg11 : memref<32xi32, #tpu.memory_space<vmem>>) dst(%dma_wait3A_293 : memref<32xi32, #tpu.memory_space<hbm>>)
    %dma_wait3A_294 = arith.constant 0 : i32
    %dma_wait3A_295 = arith.constant 0 : i32
    %dma_wait3A_296 = tpu.memref_slice %arg10[%dma_wait3A_294, %dma_wait3A_295] : memref<4x1024xf32, #tpu.memory_space<vmem>> -> memref<1x1024xf32, #tpu.memory_space<vmem>>
    %dma_wait3A_297 = tpu.memref_squeeze %dma_wait3A_296 : memref<1x1024xf32, #tpu.memory_space<vmem>> -> memref<1024xf32, #tpu.memory_space<vmem>>
    %dma_wait3A_298 = arith.constant 0 : i32
    %dma_wait3A_299 = tpu.memref_slice %arg5[%add3A_206, %dma_wait3A_298] : memref<128x1024xf32, #tpu.memory_space<hbm>> -> memref<1x1024xf32, #tpu.memory_space<hbm>>
    %dma_wait3A_300 = tpu.memref_squeeze %dma_wait3A_299 : memref<1x1024xf32, #tpu.memory_space<hbm>> -> memref<1024xf32, #tpu.memory_space<hbm>>
    %dma_wait3A_301 = arith.constant 0 : i32
    %dma_wait3A_302 = tpu.memref_slice %arg5[%add3A_206, %dma_wait3A_301] : memref<128x1024xf32, #tpu.memory_space<hbm>> -> memref<1x1024xf32, #tpu.memory_space<hbm>>
    %dma_wait3A_303 = tpu.memref_squeeze %dma_wait3A_302 : memref<1x1024xf32, #tpu.memory_space<hbm>> -> memref<1024xf32, #tpu.memory_space<hbm>>
    %dma_wait3A_304 = arith.constant 0 : i32
    %dma_wait3A_305 = tpu.memref_slice %arg10[%dma_wait3A_294, %dma_wait3A_304] : memref<4x1024xf32, #tpu.memory_space<vmem>> -> memref<1x1024xf32, #tpu.memory_space<vmem>>
    %dma_wait3A_306 = tpu.memref_squeeze %dma_wait3A_305 : memref<1x1024xf32, #tpu.memory_space<vmem>> -> memref<1024xf32, #tpu.memory_space<vmem>>
    tpu.wait_dma2 semaphore(%arg15 : memref<!tpu.dma_semaphore, #tpu.memory_space<semaphore_mem>>) src(%dma_wait3A_306 : memref<1024xf32, #tpu.memory_space<vmem>>) dst(%dma_wait3A_303 : memref<1024xf32, #tpu.memory_space<hbm>>)
    %dma_wait3A_307 = arith.constant 1 : i32
    %dma_wait3A_308 = arith.constant 0 : i32
    %dma_wait3A_309 = tpu.memref_slice %arg10[%dma_wait3A_307, %dma_wait3A_308] : memref<4x1024xf32, #tpu.memory_space<vmem>> -> memref<1x1024xf32, #tpu.memory_space<vmem>>
    %dma_wait3A_310 = tpu.memref_squeeze %dma_wait3A_309 : memref<1x1024xf32, #tpu.memory_space<vmem>> -> memref<1024xf32, #tpu.memory_space<vmem>>
    %dma_wait3A_311 = arith.constant 0 : i32
    %dma_wait3A_312 = tpu.memref_slice %arg5[%add3A_230, %dma_wait3A_311] : memref<128x1024xf32, #tpu.memory_space<hbm>> -> memref<1x1024xf32, #tpu.memory_space<hbm>>
    %dma_wait3A_313 = tpu.memref_squeeze %dma_wait3A_312 : memref<1x1024xf32, #tpu.memory_space<hbm>> -> memref<1024xf32, #tpu.memory_space<hbm>>
    %dma_wait3A_314 = arith.constant 0 : i32
    %dma_wait3A_315 = tpu.memref_slice %arg5[%add3A_230, %dma_wait3A_314] : memref<128x1024xf32, #tpu.memory_space<hbm>> -> memref<1x1024xf32, #tpu.memory_space<hbm>>
    %dma_wait3A_316 = tpu.memref_squeeze %dma_wait3A_315 : memref<1x1024xf32, #tpu.memory_space<hbm>> -> memref<1024xf32, #tpu.memory_space<hbm>>
    %dma_wait3A_317 = arith.constant 0 : i32
    %dma_wait3A_318 = tpu.memref_slice %arg10[%dma_wait3A_307, %dma_wait3A_317] : memref<4x1024xf32, #tpu.memory_space<vmem>> -> memref<1x1024xf32, #tpu.memory_space<vmem>>
    %dma_wait3A_319 = tpu.memref_squeeze %dma_wait3A_318 : memref<1x1024xf32, #tpu.memory_space<vmem>> -> memref<1024xf32, #tpu.memory_space<vmem>>
    tpu.wait_dma2 semaphore(%arg15 : memref<!tpu.dma_semaphore, #tpu.memory_space<semaphore_mem>>) src(%dma_wait3A_319 : memref<1024xf32, #tpu.memory_space<vmem>>) dst(%dma_wait3A_316 : memref<1024xf32, #tpu.memory_space<hbm>>)
    %dma_wait3A_320 = arith.constant 2 : i32
    %dma_wait3A_321 = arith.constant 0 : i32
    %dma_wait3A_322 = tpu.memref_slice %arg10[%dma_wait3A_320, %dma_wait3A_321] : memref<4x1024xf32, #tpu.memory_space<vmem>> -> memref<1x1024xf32, #tpu.memory_space<vmem>>
    %dma_wait3A_323 = tpu.memref_squeeze %dma_wait3A_322 : memref<1x1024xf32, #tpu.memory_space<vmem>> -> memref<1024xf32, #tpu.memory_space<vmem>>
    %dma_wait3A_324 = arith.constant 0 : i32
    %dma_wait3A_325 = tpu.memref_slice %arg5[%add3A_254, %dma_wait3A_324] : memref<128x1024xf32, #tpu.memory_space<hbm>> -> memref<1x1024xf32, #tpu.memory_space<hbm>>
    %dma_wait3A_326 = tpu.memref_squeeze %dma_wait3A_325 : memref<1x1024xf32, #tpu.memory_space<hbm>> -> memref<1024xf32, #tpu.memory_space<hbm>>
    %dma_wait3A_327 = arith.constant 0 : i32
    %dma_wait3A_328 = tpu.memref_slice %arg5[%add3A_254, %dma_wait3A_327] : memref<128x1024xf32, #tpu.memory_space<hbm>> -> memref<1x1024xf32, #tpu.memory_space<hbm>>
    %dma_wait3A_329 = tpu.memref_squeeze %dma_wait3A_328 : memref<1x1024xf32, #tpu.memory_space<hbm>> -> memref<1024xf32, #tpu.memory_space<hbm>>
    %dma_wait3A_330 = arith.constant 0 : i32
    %dma_wait3A_331 = tpu.memref_slice %arg10[%dma_wait3A_320, %dma_wait3A_330] : memref<4x1024xf32, #tpu.memory_space<vmem>> -> memref<1x1024xf32, #tpu.memory_space<vmem>>
    %dma_wait3A_332 = tpu.memref_squeeze %dma_wait3A_331 : memref<1x1024xf32, #tpu.memory_space<vmem>> -> memref<1024xf32, #tpu.memory_space<vmem>>
    tpu.wait_dma2 semaphore(%arg15 : memref<!tpu.dma_semaphore, #tpu.memory_space<semaphore_mem>>) src(%dma_wait3A_332 : memref<1024xf32, #tpu.memory_space<vmem>>) dst(%dma_wait3A_329 : memref<1024xf32, #tpu.memory_space<hbm>>)
    %dma_wait3A_333 = arith.constant 3 : i32
    %dma_wait3A_334 = arith.constant 0 : i32
    %dma_wait3A_335 = tpu.memref_slice %arg10[%dma_wait3A_333, %dma_wait3A_334] : memref<4x1024xf32, #tpu.memory_space<vmem>> -> memref<1x1024xf32, #tpu.memory_space<vmem>>
    %dma_wait3A_336 = tpu.memref_squeeze %dma_wait3A_335 : memref<1x1024xf32, #tpu.memory_space<vmem>> -> memref<1024xf32, #tpu.memory_space<vmem>>
    %dma_wait3A_337 = arith.constant 0 : i32
    %dma_wait3A_338 = tpu.memref_slice %arg5[%add3A_278, %dma_wait3A_337] : memref<128x1024xf32, #tpu.memory_space<hbm>> -> memref<1x1024xf32, #tpu.memory_space<hbm>>
    %dma_wait3A_339 = tpu.memref_squeeze %dma_wait3A_338 : memref<1x1024xf32, #tpu.memory_space<hbm>> -> memref<1024xf32, #tpu.memory_space<hbm>>
    %dma_wait3A_340 = arith.constant 0 : i32
    %dma_wait3A_341 = tpu.memref_slice %arg5[%add3A_278, %dma_wait3A_340] : memref<128x1024xf32, #tpu.memory_space<hbm>> -> memref<1x1024xf32, #tpu.memory_space<hbm>>
    %dma_wait3A_342 = tpu.memref_squeeze %dma_wait3A_341 : memref<1x1024xf32, #tpu.memory_space<hbm>> -> memref<1024xf32, #tpu.memory_space<hbm>>
    %dma_wait3A_343 = arith.constant 0 : i32
    %dma_wait3A_344 = tpu.memref_slice %arg10[%dma_wait3A_333, %dma_wait3A_343] : memref<4x1024xf32, #tpu.memory_space<vmem>> -> memref<1x1024xf32, #tpu.memory_space<vmem>>
    %dma_wait3A_345 = tpu.memref_squeeze %dma_wait3A_344 : memref<1x1024xf32, #tpu.memory_space<vmem>> -> memref<1024xf32, #tpu.memory_space<vmem>>
    tpu.wait_dma2 semaphore(%arg15 : memref<!tpu.dma_semaphore, #tpu.memory_space<semaphore_mem>>) src(%dma_wait3A_345 : memref<1024xf32, #tpu.memory_space<vmem>>) dst(%dma_wait3A_342 : memref<1024xf32, #tpu.memory_space<hbm>>)
    return
  }
}

module attributes {stable_mosaic.version = 14 : i64} {
  func.func @learnable_connections_expand_tc(%arg0: i32, %arg1: memref<1x8x1024xf32, #tpu.memory_space<vmem>>, %arg2: memref<1024x1xi32, #tpu.memory_space<vmem>>, %arg3: memref<1x2x512x2x512xf32, #tpu.memory_space<vmem>>) attributes {dimension_semantics = [#tpu.dimension_semantics<arbitrary>], iteration_bounds = array<i64: 16>, scalar_prefetch = 0 : i64, scratch_operands = 0 : i64, tpu.core_type = #tpu.core_type<tc>, window_params = [{transform_indices = @transform_0, window_bounds = array<i64: 1, 8, 1024>}, {pipeline_mode = #tpu.pipeline_mode<synchronous>, transform_indices = @transform_1, window_bounds = array<i64: 1024, 1>}, {transform_indices = @transform_2, window_bounds = array<i64: 1, 2, 512, 2, 512>}]} {
    %get3A = arith.constant 0 : index
    %get3A_0 = arith.constant 0 : index
    %get3A_1 = vector.load %arg2[%get3A, %get3A_0] : memref<1024x1xi32, #tpu.memory_space<vmem>>, vector<1024x1xi32>
    %get3A_2 = arith.constant 0 : index
    %get3A_3 = arith.constant 0 : index
    %get3A_4 = arith.constant 0 : index
    %get3A_5 = vector.load %arg1[%get3A_2, %get3A_3, %get3A_4] : memref<1x8x1024xf32, #tpu.memory_space<vmem>>, vector<1x8x1024xf32>
    %reshape3A = vector.shape_cast %get3A_5 : vector<1x8x1024xf32> to vector<8x1024xf32>
    %broadcast_in_dim3A = vector.shape_cast %get3A_1 : vector<1024x1xi32> to vector<1024x1xi32>
    %broadcast_in_dim3A_6 = vector.broadcast %broadcast_in_dim3A : vector<1024x1xi32> to vector<1024x1024xi32>
    %lt3A = arith.constant 0 : i32
    %lt3A_7 = vector.broadcast %lt3A : i32 to vector<1024x1024xi32>
    %lt3A_8 = arith.cmpi slt, %broadcast_in_dim3A_6, %lt3A_7 : vector<1024x1024xi32>
    %add3A = arith.constant 8 : i32
    %add3A_9 = vector.broadcast %add3A : i32 to vector<1024x1024xi32>
    %add3A_10 = arith.addi %broadcast_in_dim3A_6, %add3A_9 : vector<1024x1024xi32>
    %select_n3A = arith.select %lt3A_8, %add3A_10, %broadcast_in_dim3A_6 : vector<1024x1024xi1>, vector<1024x1024xi32>
    %reshape3A_11 = vector.shape_cast %select_n3A : vector<1024x1024xi32> to vector<1024x1024x1xi32>
    %gather3A = vector.shape_cast %reshape3A_11 : vector<1024x1024x1xi32> to vector<1024x1024xi32>
    %gather3A_12 = tpu.dynamic_gather %reshape3A[%gather3A] in [0] : vector<8x1024xf32>, vector<1024x1024xi32> -> vector<1024x1024xf32>
    %reshape3A_13 = vector.shape_cast %gather3A_12 : vector<1024x1024xf32> to vector<1x2x512x2x512xf32>
    %swap3A = arith.constant 0 : index
    %swap3A_14 = arith.constant 0 : index
    %swap3A_15 = arith.constant 0 : index
    %swap3A_16 = arith.constant 0 : index
    %swap3A_17 = arith.constant 0 : index
    %swap3A_18 = vector.load %arg3[%swap3A, %swap3A_14, %swap3A_15, %swap3A_16, %swap3A_17] : memref<1x2x512x2x512xf32, #tpu.memory_space<vmem>>, vector<1x2x512x2x512xf32>
    tpu.vector_store %arg3[%swap3A, %swap3A_14, %swap3A_15, %swap3A_16, %swap3A_17], %reshape3A_13 {strides = array<i32>} : memref<1x2x512x2x512xf32, #tpu.memory_space<vmem>>, vector<1x2x512x2x512xf32>,
    return
  }
  func.func @transform_0(%arg0: i32) -> (i32, i32, i32) {
    %c0_i32 = arith.constant 0 : i32
    %c0_i32_0 = arith.constant 0 : i32
    %c0_i32_1 = arith.constant 0 : i32
    return %arg0, %c0_i32, %c0_i32_0 : i32, i32, i32
  }
  func.func @transform_1(%arg0: i32) -> (i32, i32) {
    %c0_i32 = arith.constant 0 : i32
    %c0_i32_0 = arith.constant 0 : i32
    %c0_i32_1 = arith.constant 0 : i32
    return %c0_i32, %c0_i32_0 : i32, i32
  }
  func.func @transform_2(%arg0: i32) -> (i32, i32, i32, i32, i32) {
    %c0_i32 = arith.constant 0 : i32
    %c0_i32_0 = arith.constant 0 : i32
    %c0_i32_1 = arith.constant 0 : i32
    %c0_i32_2 = arith.constant 0 : i32
    %c0_i32_3 = arith.constant 0 : i32
    return %arg0, %c0_i32, %c0_i32_0, %c0_i32_1, %c0_i32_2 : i32, i32, i32, i32, i32
  }
}

</mosaic_0001>

<sc_bundles>
// kernel: learnable_connections_sc.3.cloned.1.call-start
scs
__scs_entry_jumppad:
0x0: {  	(pc) =	sbr.rel $0x88, $3  }
0x1: {  	(tag) =	ssettag $0x0;
	lr =	simm.s32 $0x1  }
0x2: {  	[smem:$0x3F9E] =	sst lr;
	_ =	strace $0xD0000000  }
0x3: {  	_ = 	snop  }
0x4: {  	_ = 	snop  }
0x5: {  	_ = 	snop  }
0x6: {  	_ = 	snop  }
0x7: {  	_ = 	snop  }
__scs_overlays_trampoline_lowered:
0x8: {  	[smem:$0x3FAD] =	sst s0  }
0x9: {  	[smem:$0x3FAE] =	sst s1  }
0xa: {  	[smem:$0x3FAF] =	sst s2  }
0xb: {  	[smem:$0x3FB0] =	sst s3  }
0xc: {  	[smem:$0x3FB1] =	sst s4  }
0xd: {  	[smem:$0x3FB2] =	sst s5  }
0xe: {  	[smem:$0x3FB3] =	sst s6  }
0xf: {  	[smem:$0x3FB4] =	sst s7  }
0x10: {  	[smem:$0x3FB5] =	sst s8  }
0x11: {  	[smem:$0x3FB6] =	sst s9;
	s0 =	simm.s32 @!p0 $0x0  }
0x12: {  	s1 =	sld [smem:$0x3F9C];
	s0 =	simm.s32 @p0 $0x1  }
0x13: {  	[smem:$0x3FB7] =	sst s0;
	s0 =	simm.s32 @!p1 $0x0  }
0x14: {  	s2 =	sld [smem:$0x3F9B];
	s0 =	simm.s32 @p1 $0x1  }
0x15: {  	[smem:$0x3FB8] =	sst s0;
	s0 =	simm.s32 @!p2 $0x0  }
0x16: {  	s3 =	sld [smem:$0x3FDB];
	s0 =	simm.s32 @p2 $0x1  }
0x17: {  	s4 =	simm.s32 $0x1BF5;
	[smem:$0x3FBA] =	sst s0  }
0x18: {  	s0 =	sld [smem:$0x3F9D];
	_ =	swait.ge [sflag:s4], $0x0  }
0x19: {  	s7 =	sld [smem:$0x3F9E]  }
0x1a: {  	s8 =	sadd.s32 $0xFFFFE003, lr  }
0x1b: {  	s9 =	sadd.s32 $0xFFFFFEF7, lr;
	s5 =	simm.s32 $0xFFFFFFFF;
	p2 =	slt.u32 s8, $0xFFFFF086  }
0x1c: {  	p1 =	slt.u32 s9, $0xF7A;
	s5 =	simm.s32 @!p2 $0x0  }
0x1d: {  	s5 =	simm.s32 @p1 $0x1;
	p0 =	seq.s32 s7, s2  }
0x1e: {  	s7 =	smul.u32 @!p0 $0xF7A, s2;
	p2 =	seq.s32 @!p0 s5, $0x0  }
0x1f: {  	s9 =	smul.u32 $0xF7A, s1;
	s8 =	simm.s32 @!p0 $0x1BF5;
	p2 =	por !p2, p0  }
0x20: {  	[sflag:s8] =	ssyncset.s32 @!p0 $0xFFFFF086;
	s6 =	sadd.s32 @!p0 s3, s7;
	s7 =	simm.s32 @!p0 $0x108  }
0x21: {  	s3 =	sadd.s32 s3, s9;
	s6 =	sadd.s32 @!p0 $0x88, s6;
	s7 =	simm.s32 @p2 $0x1082  }
0x22: {  	[simem:s7], [sflag:s8] =	dma.local @!p0 [hbm:s6], $0xF7A  }
0x23: {  	s9 =	sor.u32 $0xD0000000, s2;
	s6 =	simm.s32 $0x108;
	_ =	swait.ge @!p0 [sflag:s8], $0x0  }
0x24: {  	s3 =	sadd.s32 $0x88, s3;
	s6 =	simm.s32 @!p1 $0x1082;
	[sflag:s4] =	ssyncset.s32 $0xFFFFF086  }
0x25: {  	[simem:s6], [sflag:s4] =	dma.local [hbm:s3], $0xF7A  }
0x26: {  	[smem:$0x3F9E] =	sst s1;
	(tag) =	ssettag s2;
	_ =	strace s9  }
0x27: {  	s1 =	sld [smem:$0x3FAE]  }
0x28: {  	s2 =	sld [smem:$0x3FAF]  }
0x29: {  	s4 =	sld [smem:$0x3FB1]  }
0x2a: {  	p0 =	seq.s32 s5, $0x0;
	s5 =	sld [smem:$0x3FB2]  }
0x2b: {  	s6 =	sld [smem:$0x3FB3]  }
0x2c: {  	s7 =	sld [smem:$0x3FB4]  }
0x2d: {  	s3 =	simm.s32 $0x108;
	s8 =	sld [smem:$0x3FB5]  }
0x2e: {  	s3 =	simm.s32 @!p0 $0x1082;
	s9 =	sld [smem:$0x3FB6]  }
0x2f: {  	lr =	sadd.s32 s0, s3;
	s0 =	sld [smem:$0x3FAD]  }
0x30: {  	s3 =	sld [smem:$0x3FB0]  }
0x31: {  	[smem:$0x3FB9] =	sst s10  }
0x32: {  	s10 =	sld [smem:$0x3FB7];
	_ =	sdelay $0x3  }
0x33: {  	p0 =	seq.s32 s10, $0x1;
	s10 =	sld [smem:$0x3FB9];
	_ =	sdelay $0x3  }
0x34: {  	[smem:$0x3FB9] =	sst s10  }
0x35: {  	s10 =	sld [smem:$0x3FB8];
	_ =	sdelay $0x3  }
0x36: {  	p1 =	seq.s32 s10, $0x1;
	s10 =	sld [smem:$0x3FB9];
	_ =	sdelay $0x3  }
0x37: {  	[smem:$0x3FB9] =	sst s10  }
0x38: {  	s10 =	sld [smem:$0x3FBA]  }
0x39: {  	_ = 	snop;
	(pc) =	sbr.ind lr, $3  }
0x3a: {  	_ = 	snop  }
0x3b: {  	_ = 	snop  }
0x3c: {  	p2 =	seq.s32 s10, $0x1;
	s10 =	sld [smem:$0x3FB9]  }
0x3d: {  	_ =	shalt  }
0x3e: {  	_ =	shalt  }
0x3f: {  	_ =	shalt  }
0x40: {  	_ =	shalt  }
0x41: {  	_ =	shalt  }
0x42: {  	_ =	shalt  }
0x43: {  	_ =	shalt  }
0x44: {  	_ =	shalt  }
0x45: {  	_ =	shalt  }
0x46: {  	_ =	shalt  }
0x47: {  	_ =	shalt  }
0x48: {  	_ =	shalt  }
0x49: {  	_ =	shalt  }
0x4a: {  	_ =	shalt  }
0x4b: {  	_ =	shalt  }
0x4c: {  	_ =	shalt  }
0x4d: {  	_ =	shalt  }
0x4e: {  	_ =	shalt  }
0x4f: {  	_ =	shalt  }
0x50: {  	_ =	shalt  }
0x51: {  	_ =	shalt  }
0x52: {  	_ =	shalt  }
0x53: {  	_ =	shalt  }
0x54: {  	_ =	shalt  }
0x55: {  	_ =	shalt  }
0x56: {  	_ =	shalt  }
0x57: {  	_ =	shalt  }
0x58: {  	_ =	shalt  }
0x59: {  	_ =	shalt  }
0x5a: {  	_ =	shalt  }
0x5b: {  	_ =	shalt  }
0x5c: {  	_ =	shalt  }
0x5d: {  	_ =	shalt  }
0x5e: {  	_ =	shalt  }
0x5f: {  	_ =	shalt  }
0x60: {  	_ =	shalt  }
0x61: {  	_ =	shalt  }
0x62: {  	_ =	shalt  }
0x63: {  	_ =	shalt  }
0x64: {  	_ =	shalt  }
0x65: {  	_ =	shalt  }
0x66: {  	_ =	shalt  }
0x67: {  	_ =	shalt  }
0x68: {  	_ =	shalt  }
0x69: {  	_ =	shalt  }
0x6a: {  	_ =	shalt  }
0x6b: {  	_ =	shalt  }
0x6c: {  	_ =	shalt  }
0x6d: {  	_ =	shalt  }
0x6e: {  	_ =	shalt  }
0x6f: {  	_ =	shalt  }
0x70: {  	_ =	shalt  }
0x71: {  	_ =	shalt  }
0x72: {  	_ =	shalt  }
0x73: {  	_ =	shalt  }
0x74: {  	_ =	shalt  }
0x75: {  	_ =	shalt  }
0x76: {  	_ =	shalt  }
0x77: {  	_ =	shalt  }
0x78: {  	_ =	shalt  }
0x79: {  	_ =	shalt  }
0x7a: {  	_ =	shalt  }
0x7b: {  	_ =	shalt  }
0x7c: {  	_ =	shalt  }
0x7d: {  	_ =	shalt  }
0x7e: {  	_ =	shalt  }
0x7f: {  	_ =	shalt  }
0x80: {  	_ =	shalt  }
0x81: {  	_ =	shalt  }
0x82: {  	_ =	shalt  }
0x83: {  	_ =	shalt  }
0x84: {  	_ =	shalt  }
0x85: {  	_ =	shalt  }
0x86: {  	_ =	shalt  }
0x87: {  	_ =	shalt  }
.Lfunc_end0:
.L_simem_size_0:
called_computation_lowered:
.L_overlay_start_0:
0x88: {  	s2 =	sld [smem:$0x3FD9]  }
0x89: {  	s3 =	sld [smem:$0x3FFE];
	_ =	sdelay $0x1  }
0x8a: {  	s1 =	srdreg.scid  }
0x8b: {  	s0 =	sand.u32 $0x1, s1  }
0x8c: {  	s17 =	sshll.u32 s0, $0xA;
	s2 =	sadd.s32 s3, s2  }
0x8d: {  	s2 =	sadd.s32 s2, s17  }
0x8e: {  	[smem:$0x3FC5] =	sst s2  }
0x8f: {  	_ = 	snop  }
0x90: {  	s2 =	sld [smem:$0x3FC9]  }
0x91: {  	s18 =	sld [smem:$0x3FD0];
	(tm) =	ssettm $0x1  }
0x92: {  	s4 =	sld [smem:$0x3FFB];
	_ =	sdelay $0x3  }
0x93: {  	_ =	strace s4  }
0x94: {  	s4 =	sld [smem:$0x3FFC];
	_ =	sdelay $0x3  }
0x95: {  	_ =	strace s4  }
0x96: {  	s4 =	sld [smem:$0x3FFD];
	_ =	sdelay $0x3  }
0x97: {  	_ =	strace s4  }
0x98: {  	_ =	strace $0x8FFFFFFF  }
0x99: {  	s19 =	sld [smem:$0x3FDB];
	_ =	sdelay $0x1  }
0x9a: {  	s5 =	simm.s32 $_scs_section_size  }
0x9b: {  	s6 =	simm.s32 $_size__tile_overlayer_lowered;
	s7 =	simm.s32 $_tile_overlayer_lowered  }
0x9c: {  	s22 =	simm.s32 $0x1BFF;
	s21 =	sshll.u32 s7, $0x1;
	s4 =	sadd.s32 s5, s19  }
0x9d: {  	s8 =	simm.s32 $0x0;
	s20 =	sshll.u32 s6, $0x1;
	s6 =	sadd.s32 s21, s4  }
0x9e: {  	[timem:s8], [sflag:s22] =	dma.local [hbm:s6], s20  }
0x9f: {  	_ =	swait.ge [sflag:s22], s20  }
0xa0: {  	s5 =	ssub.s32 $0x0, s20;
	[sflag:s22] =	ssyncset.done $0x0  }
0xa1: {  	[sflag:s22] =	ssyncadd.s32 s5;
	_ =	sdelay $0x1  }
0xa2: {  	s23 =	simm.s32 $0x1B8B  }
0xa3: {  	_ =	swait.ge [sflag:s23], $0x1  }
0xa4: {  	[sflag:s23] =	ssyncset.done $0x0  }
0xa5: {  	s25 =	simm.s32 $0x1B8E;
	s24 =	sld [smem:$0x3FFE];
	[sflag:s23] =	ssyncadd.s32 $0xFFFFFFFF  }
0xa6: {  	s26 =	simm.s32 $execute0_lowered;
	[smem:$0x3FD2] =	sst s25  }
0xa7: {  	s6 =	sshll.u32 s26, $0x1;
	_ =	strace $0x80000046;
	[dreg:$0x1] =	wrdreg $0xFFFFFFFF  }
0xa8: {  	s28 =	simm.s32 $_size_execute0_lowered;
	s4 =	sadd.s32 s4, s6;
	[dreg:$0x0] =	wrdreg $0x0  }
0xa9: {  	s6 =	sshll.u32 s28, $0x1;
	[dreg:$0x2] =	wrdreg s4  }
0xaa: {  	[dreg:$0x3] =	wrdreg s6  }
0xab: {  	[dreg:$0x4] =	wrdreg $0xC0  }
0xac: {  	_ =	task [dreg:s8], $0x5FFFF  }
0xad: {  	[dreg:$0x1] =	wrdreg $0xFFFFFFFF  }
0xae: {  	[dreg:$0x0] =	wrdreg $0x60  }
0xaf: {  	[dreg:$0x2] =	wrdreg s2  }
0xb0: {  	[dreg:$0x3] =	wrdreg s24  }
0xb1: {  	[dreg:$0x4] =	wrdreg s18  }
0xb2: {  	[dreg:$0x5] =	wrdreg $0x9  }
0xb3: {  	_ =	task.clear_ibuf [dreg:s8], $0x6FFFF;
	_ =	strace $0x90000046  }
0xb4: {  	s29 =	simm.s32 $0x9;
	_ =	strace $0x80000048  }
0xb5: {  	_ =	swait.ge [sflag:s29], $0x1  }
0xb6: {  	[sflag:s29] =	ssyncadd.s32 $0xFFFFFFFF  }
0xb7: {  	_ =	strace $0x90000048  }
0xb8: {  	_ =	sfence  }
0xb9: {  	s30 =	sld [smem:$0x0];
	_ =	sdelay $0x2  }
0xba: {  	s31 =	sshll.u32 s1, $0xD;
	s1 =	sshrl.u32 s1, $0x2  }
0xbb: {  	s3 =	sand.u32 $0x4000, s31;
	s1 =	sadd.s32 s1, s30  }
0xbc: {  	s0 =	sor.u32 s3, s0;
	s1 =	sshll.u32 s1, $0x11  }
0xbd: {  	s0 =	sor.u32 s1, s0  }
0xbe: {  	s0 =	sadd.s32 $0x8F2B, s0  }
0xbf: {  	[sflag:s0] =	ssyncadd.remote.s32 $0x1  }
0xc0: {  	_ =	sfence.sel $0xFFFF  }
0xc1: {  	[dreg:$0x0] =	wrdreg $0xFFFFFFFF;
	(pc) =	sbr.abs _section_cstart, $3  }
0xc2: {  	[dreg:$0x1] =	wrdreg $0xFFFFFFFF  }
0xc3: {  	_ =	task.clear_ibuf [dreg:s8], $0x2FFFF;
	_ =	strace $0x9FFFFFFF  }
0xc4: {  	(tm) =	ssettm $0x7FFFFFFF  }
0xc5: {  	_ =	shalt  }
tec
execute0_lowered:
.L_overlay_start_1:
0x0: {  	(tag) =	ssettag $0x1  }
0x1: {  	s1 =	rddreg [dreg:$0x0]  }
0x2: {  	s0 =	srdreg.scid;
	s4 =	rddreg [dreg:$0x1]  }
0x3: {  	s15 =	stileid.u32;
	s12 =	rddreg [dreg:$0x2]  }
0x4: {  	s6 =	simm.s32 $0x1;
	s20 =	simm.s32 $0x400;
	s24 =	simm.s32 $0x2  }
0x5: {  	s19 =	simm.s32 $0x3C80;
	s21 =	simm.s32 $0x3E80;
	s22 =	simm.s32 $0x4080  }
0x6: {  	s23 =	simm.s32 $0x4280;
	s25 =	simm.s32 $0x4;
	s28 =	simm.s32 $0x0  }
0x7: {  	s0 =	sand.u32 $0x1, s0;
	s2 =	sshll.u32 s15, $0x1;
	s3 =	sadd.s32 $0xA00, s4  }
0x8: {  	s5 =	sor.u32 s0, s2;
	p1 =	seq.s32 s0, $0x1;
	s2 =	simm.s32 $0x0  }
0x9: {  	s10 =	sshll.u32 s0, $0x6;
	s0 =	ssub.s32 $0x2, s0;
	p0 =	seq.s32 s5, $0x0  }
0xa: {  	[smem:$0x7FF] =	sst s2;
	s7 =	sadd.s32 s10, s4;
	s8 =	sshll.u32 s5, $0x2  }
0xb: {  	s26 =	sshrl.u32 s0, $0x1;
	s29 =	sshll.u32 s5, $0x5;
	s11 =	sshll.u32 s5, $0x8  }
0xc: {  	p0 =	por !p0, !p1;
	_ =	strace $0x80000047;
	s14 =	sadd.s32 s8, s4  }
0xd: {  	s0 =	ssub.s32 s0, s26;
	s4 =	simm.s32 $0x1;
	p0 =	por !p0, !p0  }
0xe: {  	s30 =	sand.u32 $0x60, s29;
	s13 =	sor.u32 $0x300, s11;
	s6 =	simm.s32 @!p0 $0x0  }
0xf: {  	s26 =	simm.s32 $0x3;
	s31 =	sor.u32 s11, s30;
	s6 =	ssub.s32 s15, s6  }
0x10: {  	s14 =	sadd.s32 $0x1200, s14;
	s15 =	sshll.u32 s15, $0xA;
	s9 =	sshrl.u32 s6, $0x3  }
0x11: {  	s6 =	sshll.u32 s6, $0x7;
	s15 =	sor.u32 s10, s15;
	s9 =	smul.u32 $0x1800, s9  }
0x12: {  	s18 =	smax.u32 s0, $0x1;
	s6 =	sand.u32 $0x380, s6;
	s12 =	sadd.s32 s12, s15  }
0x13: {  	s8 =	sor.u32 $0x300, s31;
	s15 =	sadd.s32 $0x10, s12;
	s6 =	sor.u32 s6, s9  }
0x14: {  	s17 =	sadd.s32 $0x30, s12;
	s9 =	sor.u32 $0x380, s31;
	s6 =	sshrl.u32 s6, $0x3  }
0x15: {  	s5 =	sadd.s32 s1, s6;
	s6 =	sadd.s32 $0xE00, s7;
	s1 =	sor.u32 $0x10, s30  }
0x16: {  	s7 =	sor.u32 s30, s13;
	s16 =	sor.u32 s11, s1;
	s10 =	sor.u32 s1, s13  }
0x17: {  	v0 =	vimm.s32 $0x0;
	s11 =	sor.u32 $0x300, s16;
	s13 =	sor.u32 $0x380, s16;
	s16 =	sadd.s32 $0x20, s12  }
.LBB2_1:
0x18: {  	s0 =	simm.s32 $0x80  }
0x19: {  	[tilespmem:s2], [sflag:$0x1] =	stream.strided.gather [hbm4b:s5+s0], $0x300, s20, s0, $0x38;
	[tilespmem:$0x4380] =	vst v63  }
0x1a: {  	s1 =	simm.s32 $0x300  }
0x1b: {  	[tilespmem:s1], [sflag:$0x2] =	stream.linear.gather [hbm4b:s3+s2], $0x2000, $0x38;
	[tilespmem:$0x4380] =	vst v63  }
0x1c: {  	s0 =	simm.s32 $0x200;
	s1 =	simm.s32 $0x2300  }
0x1d: {  	[tilespmem:s1], [sflag:$0x3] =	stream.strided.gather [hbm4b:s6+s0], $0x1000, s20, s0, $0x38;
	[tilespmem:$0x4380] =	vst v63  }
0x1e: {  	_ =	swait.ge [sflag:s24], $0x2000  }
0x1f: {  	[sflag:s24] =	ssyncset.done $0x0  }
0x20: {  	[sflag:s24] =	ssyncadd.s32 $0xFFFFE000  }
0x21: {  	v1 =	vld [tilespmem:s7+$0x0]  }
0x22: {  	v2 =	vld [tilespmem:s7+$0x80];
	_ =	sdelay $0x1  }
0x23: {  	v3 =	vld [tilespmem:s7+$0x100];
	_ =	sdelay $0x1  }
0x24: {  	v4 =	vld [tilespmem:s7+$0x180]  }
0x25: {  	vm0 =	vgt.f32 v2, v1  }
0x26: {  	v1 =	vsel vm0, v2, v1;
	v2 =	vld [tilespmem:s7+$0x200]  }
0x27: {  	vm1 =	vgt.f32 v3, v1  }
0x28: {  	v1 =	vsel vm1, v3, v1;
	v3 =	vld [tilespmem:s7+$0x280]  }
0x29: {  	vm2 =	vgt.f32 v4, v1  }
0x2a: {  	v60 =	vld [tilespmem:s8+$0x300];
	v1 =	vsel vm2, v4, v1  }
0x2b: {  	vm3 =	vgt.f32 v2, v1  }
0x2c: {  	v5 =	vsel vm0, $0x1, v0;
	v1 =	vsel vm3, v2, v1;
	v2 =	vld [tilespmem:s9+$0x300]  }
0x2d: {  	v5 =	vsel vm1, $0x2, v5;
	vm6 =	vgt.f32 v3, v1  }
0x2e: {  	v5 =	vsel vm2, $0x3, v5;
	v1 =	vsel vm6, v3, v1  }
0x2f: {  	v3 =	vsel vm3, $0x4, v5;
	vm7 =	vgt.f32 v60, v1  }
0x30: {  	v3 =	vsel vm6, $0x5, v3;
	v1 =	vsel vm7, v60, v1  }
0x31: {  	v3 =	vsel vm7, $0x6, v3;
	vm8 =	vgt.f32 v2, v1  }
0x32: {  	v1 =	vsel vm8, $0x7, v3  }
0x33: {  	[tilespmem:$0x4300] =	vst v1  }
0x34: {  	v1 =	vld [tilespmem:s10+$0x0]  }
0x35: {  	v2 =	vld [tilespmem:s10+$0x80];
	_ =	sdelay $0x1  }
0x36: {  	v3 =	vld [tilespmem:s10+$0x100];
	_ =	sdelay $0x1  }
0x37: {  	v61 =	vld [tilespmem:s10+$0x180]  }
0x38: {  	vm9 =	vgt.f32 v2, v1  }
0x39: {  	v1 =	vsel vm9, v2, v1;
	v2 =	vld [tilespmem:s10+$0x200]  }
0x3a: {  	vm10 =	vgt.f32 v3, v1  }
0x3b: {  	v1 =	vsel vm10, v3, v1;
	v3 =	vld [tilespmem:s10+$0x280]  }
0x3c: {  	vm11 =	vgt.f32 v61, v1  }
0x3d: {  	v62 =	vld [tilespmem:s11+$0x300];
	v1 =	vsel vm11, v61, v1  }
0x3e: {  	vm12 =	vgt.f32 v2, v1  }
0x3f: {  	v63 =	vsel vm9, $0x1, v0;
	v1 =	vsel vm12, v2, v1;
	v2 =	vld [tilespmem:s13+$0x300]  }
0x40: {  	v5 =	vsel vm10, $0x2, v63;
	vm13 =	vgt.f32 v3, v1  }
0x41: {  	v5 =	vsel vm11, $0x3, v5;
	v1 =	vsel vm13, v3, v1  }
0x42: {  	v3 =	vsel vm12, $0x4, v5;
	vm14 =	vgt.f32 v62, v1  }
0x43: {  	v3 =	vsel vm13, $0x5, v3;
	v1 =	vsel vm14, v62, v1  }
0x44: {  	v3 =	vsel vm14, $0x6, v3;
	vm15 =	vgt.f32 v2, v1  }
0x45: {  	v1 =	vsel vm15, $0x7, v3  }
0x46: {  	s1 =	simm.s32 $0x4300;
	[tilespmem:$0x4310] =	vst v1  }
0x47: {  	[hbm4b:s14+s2] =	stream.linear.scatter [tilespmem:s1], [sflag:$0x4], $0x20, $0x38;
	[tilespmem:$0x4380] =	vst v63  }
0x48: {  	_ =	swait.ge [sflag:s4], $0x300  }
0x49: {  	[sflag:s4] =	ssyncset.done $0x0  }
0x4a: {  	[sflag:s4] =	ssyncadd.s32 $0xFFFFFD00  }
0x4b: {  	_ =	swait.ge [sflag:s26], $0x1000  }
0x4c: {  	s0 =	sand.u32 $0x40, s2;
	s1 =	sand.u32 $0xE00, s2;
	[sflag:s26] =	ssyncset.done $0x0  }
0x4d: {  	s29 =	sor.u32 s0, s1;
	[sflag:s26] =	ssyncadd.s32 $0xFFFFF000  }
0x4e: {  	v1 =	vld [tilespmem:s29+$0x2300];
	_ =	sdelay $0x5  }
0x4f: {  	v2 =	vld [tilespmem:s29+$0x2310];
	_ =	sdelay $0x1  }
0x50: {  	v1 =	vld.idx.msk [tilespmem:v1+s2+$0x0], $0xffff;
	_ =	sdelay $0x4  }
0x51: {  	v3 =	vld [tilespmem:s29+$0x2320];
	[tilespmem:s29+$0x3300] =	vst v1  }
0x52: {  	v1 =	vld.idx.msk [tilespmem:v2+s2+$0x0], $0xffff;
	_ =	sdelay $0x4  }
0x53: {  	[tilespmem:s29+$0x3310] =	vst v1;
	v1 =	vld [tilespmem:s29+$0x2330];
	_ =	sdelay $0x1  }
0x54: {  	v2 =	vld.idx.msk [tilespmem:v3+s2+$0x0], $0xffff;
	_ =	sdelay $0x1  }
0x55: {  	s30 =	simm.s32 $0x100;
	s1 =	simm.s32 $0x40  }
0x56: {  	s31 =	simm.s32 $0x80;
	s0 =	sand.u32 $0xE00, s30;
	s1 =	sand.u32 $0x40, s1  }
.LBB2_2:
0x57: {  	p0 =	sne.s32 s31, $0x3C0;
	s0 =	sor.u32 s1, s0  }
0x58: {  	v3 =	vld [tilespmem:s0+$0x2300];
	[tilespmem:s29+$0x3320] =	vst v2  }
0x59: {  	v1 =	vld.idx.msk [tilespmem:v1+s2+$0x0], $0xffff;
	_ =	sdelay $0x5  }
0x5a: {  	v2 =	vld [tilespmem:s0+$0x2310];
	[tilespmem:s29+$0x3330] =	vst v1;
	s29 =	smov.u32 s0  }
0x5b: {  	v1 =	vld.idx.msk [tilespmem:v3+s2+$0x0], $0xffff;
	_ =	sdelay $0x5  }
0x5c: {  	[tilespmem:s29+$0x3300] =	vst v1;
	v3 =	vld [tilespmem:s29+$0x2320]  }
0x5d: {  	v1 =	vld.idx.msk [tilespmem:v2+s2+$0x0], $0xffff;
	_ =	sdelay $0x5  }
0x5e: {  	[tilespmem:s29+$0x3310] =	vst v1;
	v1 =	vld [tilespmem:s29+$0x2330]  }
.Ltmp0:
0x5f: {  	v2 =	vld.idx.msk [tilespmem:v3+s2+$0x0], $0xffff;
	(pc) =	sbr.rel @p0 .LBB2_2-.Ltmp0, $3  }
0x60: {  	_ =	sdelay $0x1  }
0x61: {  	s30 =	sadd.s32 $0x100, s30  }
0x62: {  	s1 =	sand.u32 $0x40, s31;
	s31 =	sadd.s32 $0x40, s31;
	s0 =	sand.u32 $0xE00, s30  }
0x63: {  	_ = 	snop  }
0x64: {  	s0 =	sor.u32 s1, s0  }
0x65: {  	v3 =	vld [tilespmem:s0+$0x2300]  }
0x66: {  	[tilespmem:s29+$0x3320] =	vst v2  }
0x67: {  	v1 =	vld.idx.msk [tilespmem:v1+s2+$0x0], $0xffff;
	_ =	sdelay $0x3  }
0x68: {  	v2 =	vld [tilespmem:s0+$0x2310]  }
0x69: {  	[tilespmem:s29+$0x3330] =	vst v1  }
0x6a: {  	v1 =	vld.idx.msk [tilespmem:v3+s2+$0x0], $0xffff;
	_ =	sdelay $0x3  }
0x6b: {  	v3 =	vld [tilespmem:s0+$0x2320]  }
0x6c: {  	[tilespmem:s0+$0x3300] =	vst v1  }
0x6d: {  	v1 =	vld.idx.msk [tilespmem:v2+s2+$0x0], $0xffff;
	_ =	sdelay $0x3  }
0x6e: {  	v2 =	vld [tilespmem:s0+$0x2330]  }
0x6f: {  	[tilespmem:s0+$0x3310] =	vst v1  }
0x70: {  	v1 =	vld.idx.msk [tilespmem:v3+s2+$0x0], $0xffff;
	_ =	sdelay $0x4  }
0x71: {  	[tilespmem:s0+$0x3320] =	vst v1  }
0x72: {  	v1 =	vld.idx.msk [tilespmem:v2+s2+$0x0], $0xffff;
	_ =	sdelay $0x4  }
0x73: {  	s1 =	simm.s32 $0x3300;
	[tilespmem:s0+$0x3330] =	vst v1;
	s0 =	simm.s32 $0x0  }
0x74: {  	[hbm4b:s12+s0] =	stream.linear.scatter [tilespmem:s1], [sflag:$0x4], $0x80, $0x38;
	[tilespmem:$0x4380] =	vst v63  }
0x75: {  	s29 =	simm.s32 $0x3500;
	s1 =	sadd.s32 $0x80, s12  }
0x76: {  	[hbm4b:s1+s0] =	stream.linear.scatter [tilespmem:s29], [sflag:$0x4], $0x80, $0x38;
	[tilespmem:$0x4380] =	vst v63  }
0x77: {  	s1 =	sadd.s32 $0x100, s12;
	s29 =	simm.s32 $0x3700  }
0x78: {  	[hbm4b:s1+s0] =	stream.linear.scatter [tilespmem:s29], [sflag:$0x4], $0x80, $0x38;
	[tilespmem:$0x4380] =	vst v63  }
0x79: {  	s1 =	sadd.s32 $0x180, s12;
	s29 =	simm.s32 $0x3900  }
0x7a: {  	[hbm4b:s1+s0] =	stream.linear.scatter [tilespmem:s29], [sflag:$0x4], $0x80, $0x38;
	[tilespmem:$0x4380] =	vst v63  }
0x7b: {  	s1 =	sadd.s32 $0x200, s12;
	s29 =	simm.s32 $0x3B00  }
0x7c: {  	[hbm4b:s1+s0] =	stream.linear.scatter [tilespmem:s29], [sflag:$0x4], $0x80, $0x38;
	[tilespmem:$0x4380] =	vst v63  }
0x7d: {  	s1 =	sadd.s32 $0x280, s12;
	s29 =	simm.s32 $0x3D00  }
0x7e: {  	[hbm4b:s1+s0] =	stream.linear.scatter [tilespmem:s29], [sflag:$0x4], $0x80, $0x38;
	[tilespmem:$0x4380] =	vst v63  }
0x7f: {  	s1 =	sadd.s32 $0x300, s12;
	s29 =	simm.s32 $0x3F00  }
0x80: {  	[hbm4b:s1+s0] =	stream.linear.scatter [tilespmem:s29], [sflag:$0x4], $0x80, $0x38;
	[tilespmem:$0x4380] =	vst v63  }
0x81: {  	s1 =	sadd.s32 $0x380, s12;
	s29 =	simm.s32 $0x4100  }
0x82: {  	[hbm4b:s1+s0] =	stream.linear.scatter [tilespmem:s29], [sflag:$0x4], $0x80, $0x38;
	[tilespmem:$0x4380] =	vst v63  }
0x83: {  	s1 =	sand.u32 $0x40, s0;
	s0 =	sand.u32 $0xE00, s0  }
0x84: {  	s29 =	sor.u32 s1, s0  }
0x85: {  	v1 =	vld [tilespmem:s29+$0x2380];
	_ =	sdelay $0x5  }
0x86: {  	v2 =	vld [tilespmem:s29+$0x2390];
	_ =	sdelay $0x1  }
0x87: {  	v1 =	vld.idx.msk [tilespmem:v1+s2+$0x0], $0xffff;
	_ =	sdelay $0x4  }
0x88: {  	v3 =	vld [tilespmem:s29+$0x23A0];
	[tilespmem:s29+$0x3380] =	vst v1  }
0x89: {  	v1 =	vld.idx.msk [tilespmem:v2+s2+$0x0], $0xffff;
	_ =	sdelay $0x4  }
0x8a: {  	[tilespmem:s29+$0x3390] =	vst v1;
	v1 =	vld [tilespmem:s29+$0x23B0];
	_ =	sdelay $0x1  }
0x8b: {  	v2 =	vld.idx.msk [tilespmem:v3+s2+$0x0], $0xffff;
	_ =	sdelay $0x1  }
0x8c: {  	s30 =	simm.s32 $0x100;
	s1 =	simm.s32 $0x40  }
0x8d: {  	s31 =	simm.s32 $0x80;
	s0 =	sand.u32 $0xE00, s30;
	s1 =	sand.u32 $0x40, s1  }
.LBB2_4:
0x8e: {  	p0 =	sne.s32 s31, $0x3C0;
	s0 =	sor.u32 s1, s0  }
0x8f: {  	v3 =	vld [tilespmem:s0+$0x2380];
	[tilespmem:s29+$0x33A0] =	vst v2  }
0x90: {  	v1 =	vld.idx.msk [tilespmem:v1+s2+$0x0], $0xffff;
	_ =	sdelay $0x5  }
0x91: {  	v2 =	vld [tilespmem:s0+$0x2390];
	[tilespmem:s29+$0x33B0] =	vst v1;
	s29 =	smov.u32 s0  }
0x92: {  	v1 =	vld.idx.msk [tilespmem:v3+s2+$0x0], $0xffff;
	_ =	sdelay $0x5  }
0x93: {  	[tilespmem:s29+$0x3380] =	vst v1;
	v3 =	vld [tilespmem:s29+$0x23A0]  }
0x94: {  	v1 =	vld.idx.msk [tilespmem:v2+s2+$0x0], $0xffff;
	_ =	sdelay $0x5  }
0x95: {  	[tilespmem:s29+$0x3390] =	vst v1;
	v1 =	vld [tilespmem:s29+$0x23B0]  }
.Ltmp1:
0x96: {  	v2 =	vld.idx.msk [tilespmem:v3+s2+$0x0], $0xffff;
	(pc) =	sbr.rel @p0 .LBB2_4-.Ltmp1, $3  }
0x97: {  	_ =	sdelay $0x1  }
0x98: {  	s30 =	sadd.s32 $0x100, s30  }
0x99: {  	s1 =	sand.u32 $0x40, s31;
	s31 =	sadd.s32 $0x40, s31;
	s0 =	sand.u32 $0xE00, s30  }
0x9a: {  	_ = 	snop  }
0x9b: {  	s0 =	sor.u32 s1, s0  }
0x9c: {  	v3 =	vld [tilespmem:s0+$0x2380]  }
0x9d: {  	[tilespmem:s29+$0x33A0] =	vst v2  }
0x9e: {  	v1 =	vld.idx.msk [tilespmem:v1+s2+$0x0], $0xffff;
	_ =	sdelay $0x3  }
0x9f: {  	v2 =	vld [tilespmem:s0+$0x2390]  }
0xa0: {  	[tilespmem:s29+$0x33B0] =	vst v1  }
0xa1: {  	v1 =	vld.idx.msk [tilespmem:v3+s2+$0x0], $0xffff;
	_ =	sdelay $0x3  }
0xa2: {  	v3 =	vld [tilespmem:s0+$0x23A0]  }
0xa3: {  	[tilespmem:s0+$0x3380] =	vst v1  }
0xa4: {  	v1 =	vld.idx.msk [tilespmem:v2+s2+$0x0], $0xffff;
	_ =	sdelay $0x3  }
0xa5: {  	v2 =	vld [tilespmem:s0+$0x23B0]  }
0xa6: {  	[tilespmem:s0+$0x3390] =	vst v1  }
0xa7: {  	v1 =	vld.idx.msk [tilespmem:v3+s2+$0x0], $0xffff;
	_ =	sdelay $0x4  }
0xa8: {  	[tilespmem:s0+$0x33A0] =	vst v1  }
0xa9: {  	v1 =	vld.idx.msk [tilespmem:v2+s2+$0x0], $0xffff;
	_ =	sdelay $0x4  }
0xaa: {  	s31 =	simm.s32 $0x3380;
	s29 =	simm.s32 $0x0;
	[tilespmem:s0+$0x33B0] =	vst v1  }
0xab: {  	[hbm4b:s15+s29] =	stream.linear.scatter [tilespmem:s31], [sflag:$0x4], $0x80, $0x38;
	[tilespmem:$0x4380] =	vst v63  }
0xac: {  	s1 =	sadd.s32 $0x80, s15;
	s31 =	simm.s32 $0x3580  }
0xad: {  	[hbm4b:s1+s29] =	stream.linear.scatter [tilespmem:s31], [sflag:$0x4], $0x80, $0x38;
	[tilespmem:$0x4380] =	vst v63  }
0xae: {  	s1 =	sadd.s32 $0x100, s15;
	s31 =	simm.s32 $0x3780  }
0xaf: {  	[hbm4b:s1+s29] =	stream.linear.scatter [tilespmem:s31], [sflag:$0x4], $0x80, $0x38;
	[tilespmem:$0x4380] =	vst v63  }
0xb0: {  	s1 =	sadd.s32 $0x180, s15;
	s31 =	simm.s32 $0x3980  }
0xb1: {  	[hbm4b:s1+s29] =	stream.linear.scatter [tilespmem:s31], [sflag:$0x4], $0x80, $0x38;
	[tilespmem:$0x4380] =	vst v63  }
0xb2: {  	s1 =	sadd.s32 $0x200, s15;
	s31 =	simm.s32 $0x3B80  }
0xb3: {  	[hbm4b:s1+s29] =	stream.linear.scatter [tilespmem:s31], [sflag:$0x4], $0x80, $0x38;
	[tilespmem:$0x4380] =	vst v63  }
0xb4: {  	s1 =	sadd.s32 $0x280, s15;
	s31 =	simm.s32 $0x3D80  }
0xb5: {  	[hbm4b:s1+s29] =	stream.linear.scatter [tilespmem:s31], [sflag:$0x4], $0x80, $0x38;
	[tilespmem:$0x4380] =	vst v63  }
0xb6: {  	p0 =	por $0x0, $0x0;
	s1 =	sadd.s32 $0x300, s15;
	s31 =	simm.s32 $0x3F80  }
0xb7: {  	[hbm4b:s1+s29] =	stream.linear.scatter [tilespmem:s31], [sflag:$0x4], $0x80, $0x38;
	[tilespmem:$0x4380] =	vst v63  }
0xb8: {  	s30 =	simm.s32 $0x0;
	s1 =	sadd.s32 $0x380, s15;
	s31 =	simm.s32 $0x4180  }
0xb9: {  	[hbm4b:s1+s29] =	stream.linear.scatter [tilespmem:s31], [sflag:$0x4], $0x80, $0x38;
	[tilespmem:$0x4380] =	vst v63  }
.LBB2_6:
0xba: {  	s0 =	simm.s32 $0x1  }
0xbb: {  	s0 =	simm.s32 @!p0 $0x0  }
0xbc: {  	s0 =	sshll.u32 s0, $0x6  }
0xbd: {  	s0 =	sadd.s32 s0, s29  }
0xbe: {  	s1 =	sor.u32 $0x100, s0  }
0xbf: {  	v1 =	vld [tilespmem:s1+$0x2300];
	_ =	sdelay $0x7  }
0xc0: {  	v1 =	vld.idx.msk [tilespmem:v1+s2+$0x0], $0xffff;
	_ =	sdelay $0x4  }
0xc1: {  	s31 =	sor.u32 $0x110, s0;
	[tilespmem:s1+$0x3300] =	vst v1  }
0xc2: {  	v1 =	vld [tilespmem:s31+$0x2300];
	_ =	sdelay $0x7  }
0xc3: {  	v1 =	vld.idx.msk [tilespmem:v1+s2+$0x0], $0xffff;
	_ =	sdelay $0x4  }
0xc4: {  	[tilespmem:s31+$0x3300] =	vst v1;
	s31 =	sor.u32 $0x120, s0  }
0xc5: {  	v1 =	vld [tilespmem:s31+$0x2300];
	_ =	sdelay $0x7  }
0xc6: {  	v1 =	vld.idx.msk [tilespmem:v1+s2+$0x0], $0xffff;
	_ =	sdelay $0x4  }
0xc7: {  	s0 =	sor.u32 $0x130, s0;
	[tilespmem:s31+$0x3300] =	vst v1  }
0xc8: {  	v1 =	vld [tilespmem:s0+$0x2300];
	_ =	sdelay $0x7  }
0xc9: {  	p1 =	sne.s32 s30, $0x3C0;
	v1 =	vld.idx.msk [tilespmem:v1+s2+$0x0], $0xffff  }
.Ltmp2:
0xca: {  	_ = 	snop;
	(pc) =	sbr.rel @p1 .LBB2_6-.Ltmp2, $2  }
0xcb: {  	_ =	sdelay $0x2  }
0xcc: {  	s30 =	sadd.s32 $0x40, s30;
	p0 =	por !p0, !p0;
	s29 =	sadd.s32 $0x100, s29;
	[tilespmem:s0+$0x3300] =	vst v1  }
0xcd: {  	s29 =	simm.s32 $0x0;
	s0 =	simm.s32 $0x3400  }
0xce: {  	[hbm4b:s16+s29] =	stream.linear.scatter [tilespmem:s0], [sflag:$0x4], $0x80, $0x38;
	[tilespmem:$0x4380] =	vst v63  }
0xcf: {  	s31 =	sadd.s32 $0x80, s16;
	s1 =	simm.s32 $0x3600  }
0xd0: {  	[hbm4b:s31+s29] =	stream.linear.scatter [tilespmem:s1], [sflag:$0x4], $0x80, $0x38;
	[tilespmem:$0x4380] =	vst v63  }
0xd1: {  	s1 =	sadd.s32 $0x100, s16;
	s31 =	simm.s32 $0x3800  }
0xd2: {  	[hbm4b:s1+s29] =	stream.linear.scatter [tilespmem:s31], [sflag:$0x4], $0x80, $0x38;
	[tilespmem:$0x4380] =	vst v63  }
0xd3: {  	s1 =	sadd.s32 $0x180, s16;
	s31 =	simm.s32 $0x3A00  }
0xd4: {  	[hbm4b:s1+s29] =	stream.linear.scatter [tilespmem:s31], [sflag:$0x4], $0x80, $0x38;
	[tilespmem:$0x4380] =	vst v63  }
0xd5: {  	s1 =	sadd.s32 $0x200, s16;
	s31 =	simm.s32 $0x3C00  }
0xd6: {  	[hbm4b:s1+s29] =	stream.linear.scatter [tilespmem:s31], [sflag:$0x4], $0x80, $0x38;
	[tilespmem:$0x4380] =	vst v63  }
0xd7: {  	s1 =	sadd.s32 $0x280, s16;
	s31 =	simm.s32 $0x3E00  }
0xd8: {  	[hbm4b:s1+s29] =	stream.linear.scatter [tilespmem:s31], [sflag:$0x4], $0x80, $0x38;
	[tilespmem:$0x4380] =	vst v63  }
0xd9: {  	p0 =	por $0x0, $0x0;
	s1 =	sadd.s32 $0x300, s16;
	s31 =	simm.s32 $0x4000  }
0xda: {  	[hbm4b:s1+s29] =	stream.linear.scatter [tilespmem:s31], [sflag:$0x4], $0x80, $0x38;
	[tilespmem:$0x4380] =	vst v63  }
0xdb: {  	s30 =	simm.s32 $0x0;
	s1 =	sadd.s32 $0x380, s16;
	s31 =	simm.s32 $0x4200  }
0xdc: {  	[hbm4b:s1+s29] =	stream.linear.scatter [tilespmem:s31], [sflag:$0x4], $0x80, $0x38;
	[tilespmem:$0x4380] =	vst v63  }
.LBB2_8:
0xdd: {  	s0 =	simm.s32 $0x1  }
0xde: {  	s0 =	simm.s32 @!p0 $0x0  }
0xdf: {  	s0 =	sshll.u32 s0, $0x6  }
0xe0: {  	s0 =	sadd.s32 s0, s29  }
0xe1: {  	s1 =	sor.u32 $0x180, s0  }
0xe2: {  	v1 =	vld [tilespmem:s1+$0x2300];
	_ =	sdelay $0x7  }
0xe3: {  	v1 =	vld.idx.msk [tilespmem:v1+s2+$0x0], $0xffff;
	_ =	sdelay $0x4  }
0xe4: {  	s31 =	sor.u32 $0x190, s0;
	[tilespmem:s1+$0x3300] =	vst v1  }
0xe5: {  	v1 =	vld [tilespmem:s31+$0x2300];
	_ =	sdelay $0x7  }
0xe6: {  	v1 =	vld.idx.msk [tilespmem:v1+s2+$0x0], $0xffff;
	_ =	sdelay $0x4  }
0xe7: {  	[tilespmem:s31+$0x3300] =	vst v1;
	s31 =	sor.u32 $0x1A0, s0  }
0xe8: {  	v1 =	vld [tilespmem:s31+$0x2300];
	_ =	sdelay $0x7  }
0xe9: {  	v1 =	vld.idx.msk [tilespmem:v1+s2+$0x0], $0xffff;
	_ =	sdelay $0x4  }
0xea: {  	s0 =	sor.u32 $0x1B0, s0;
	[tilespmem:s31+$0x3300] =	vst v1  }
0xeb: {  	v1 =	vld [tilespmem:s0+$0x2300];
	_ =	sdelay $0x7  }
0xec: {  	p1 =	sne.s32 s30, $0x3C0;
	v1 =	vld.idx.msk [tilespmem:v1+s2+$0x0], $0xffff  }
.Ltmp3:
0xed: {  	_ = 	snop;
	(pc) =	sbr.rel @p1 .LBB2_8-.Ltmp3, $2  }
0xee: {  	_ =	sdelay $0x2  }
0xef: {  	s30 =	sadd.s32 $0x40, s30;
	p0 =	por !p0, !p0;
	s29 =	sadd.s32 $0x100, s29;
	[tilespmem:s0+$0x3300] =	vst v1  }
0xf0: {  	s0 =	simm.s32 $0x3480  }
0xf1: {  	[hbm4b:s17+s2] =	stream.linear.scatter [tilespmem:s0], [sflag:$0x4], $0x80, $0x38;
	[tilespmem:$0x4380] =	vst v63  }
0xf2: {  	s31 =	sadd.s32 $0x80, s17;
	s1 =	simm.s32 $0x3680  }
0xf3: {  	[hbm4b:s31+s2] =	stream.linear.scatter [tilespmem:s1], [sflag:$0x4], $0x80, $0x38;
	[tilespmem:$0x4380] =	vst v63  }
0xf4: {  	s29 =	simm.s32 $0x3880;
	s1 =	sadd.s32 $0x100, s17  }
0xf5: {  	[hbm4b:s1+s2] =	stream.linear.scatter [tilespmem:s29], [sflag:$0x4], $0x80, $0x38;
	[tilespmem:$0x4380] =	vst v63  }
0xf6: {  	s30 =	sadd.s32 $0x180, s17;
	s31 =	simm.s32 $0x3A80  }
0xf7: {  	[hbm4b:s30+s2] =	stream.linear.scatter [tilespmem:s31], [sflag:$0x4], $0x80, $0x38;
	[tilespmem:$0x4380] =	vst v63  }
0xf8: {  	s1 =	sadd.s32 $0x200, s17  }
0xf9: {  	[hbm4b:s1+s2] =	stream.linear.scatter [tilespmem:s19], [sflag:$0x4], $0x80, $0x38;
	[tilespmem:$0x4380] =	vst v63  }
0xfa: {  	s29 =	sadd.s32 $0x280, s17  }
0xfb: {  	[hbm4b:s29+s2] =	stream.linear.scatter [tilespmem:s21], [sflag:$0x4], $0x80, $0x38;
	[tilespmem:$0x4380] =	vst v63  }
0xfc: {  	s30 =	sadd.s32 $0x300, s17  }
0xfd: {  	[hbm4b:s30+s2] =	stream.linear.scatter [tilespmem:s22], [sflag:$0x4], $0x80, $0x38;
	[tilespmem:$0x4380] =	vst v63  }
0xfe: {  	s31 =	sadd.s32 $0x380, s17  }
0xff: {  	[hbm4b:s31+s2] =	stream.linear.scatter [tilespmem:s23], [sflag:$0x4], $0x80, $0x38;
	[tilespmem:$0x4380] =	vst v63  }
0x100: {  	_ =	swait.ge [sflag:s25], $0x20  }
0x101: {  	[sflag:s25] =	ssyncset.done $0x0  }
0x102: {  	[sflag:s25] =	ssyncadd.s32 $0xFFFFFFE0  }
0x103: {  	_ =	swait.ge [sflag:s25], $0x400  }
0x104: {  	[sflag:s25] =	ssyncset.done $0x0  }
0x105: {  	[sflag:s25] =	ssyncadd.s32 $0xFFFFFC00  }
0x106: {  	_ =	swait.ge [sflag:s25], $0x400  }
0x107: {  	[sflag:s25] =	ssyncset.done $0x0  }
0x108: {  	s28 =	sadd.s32 $0x1, s28;
	[sflag:s25] =	ssyncadd.s32 $0xFFFFFC00  }
0x109: {  	p0 =	sne.s32 s28, s18;
	_ =	swait.ge [sflag:s25], $0x400  }
.Ltmp4:
0x10a: {  	[sflag:s25] =	ssyncset.done $0x0;
	(pc) =	sbr.rel @p0 .LBB2_1-.Ltmp4, $4  }
0x10b: {  	[sflag:s25] =	ssyncadd.s32 $0xFFFFFC00  }
0x10c: {  	_ =	swait.ge [sflag:s25], $0x400  }
0x10d: {  	[sflag:s25] =	ssyncset.done $0x0  }
0x10e: {  	[sflag:s25] =	ssyncadd.s32 $0xFFFFFC00  }
0x10f: {  	_ =	sfence.sel $0x180000  }
0x110: {  	[bflag:$0x0] =	sbarrier.arrive $0xFFFF  }
0x111: {  	_ =	strace $0x90000047  }
0x112: {  	s0 =	stileid.u32;
	[bflag:$0x2] =	sbarrier.arrive $0xFFFF  }
0x113: {  	p0 =	sne.s32 s0, $0x0;
	s0 =	rddreg [dreg:$0x3]  }
0x114: {  	s0 =	sadd.s32 @!p0 $0x100000, s0  }
0x115: {  	[sflag:s0] =	ssyncadd.tile.s32 @!p0 $0x1;
	_ =	shalt  }
.Lfunc_end2:
_tile_overlayer_lowered:
.L_overlay_start_2:
0x116: {  	(tag) =	ssettag $0x2  }
0x117: {  	s0 =	rddreg [dreg:$0x0];
	s2 =	stileid.u32  }
0x118: {  	s1 =	rddreg [dreg:$0x1];
	p0 =	sne.s32 s2, $0x0  }
0x119: {  	s3 =	rddreg [dreg:$0x2];
	[bflag:$0x3] =	sbarrier.arrive $0xFFFF;
	s2 =	simm.s32 @!p0 $0x1C05  }
0x11a: {  	[timem:s3], [sflag:s2] =	dma.local @!p0 [hbm:s0], s1  }
0x11b: {  	s0 =	simm.s32 @!p0 $0x5  }
0x11c: {  	_ =	swait.ge @!p0 [sflag:s0], s1  }
0x11d: {  	s1 =	ssub.s32 @!p0 $0x0, s1;
	[sflag:s0] =	ssyncset.done @!p0 $0x0  }
0x11e: {  	[sflag:s0] =	ssyncadd.s32 @!p0 s1  }
0x11f: {  	[bflag:$0x3] =	sbarrier.arrive $0xFFFF  }
0x120: {  	_ =	shalt  }

</sc_bundles>
